<compile_context>
chip_gen: v7x
topology: tpu7x:2x2x1
jax: 0.10.2.dev20260603
libtpu: 0.0.44.dev20260713+nightly
codegen_flags: <defaults>
</compile_context>

<pallas_src>
import functools

import jax
import jax.numpy as jnp
from jax import lax
from jax.experimental import pallas as pl
from jax.experimental.pallas import tpu as pltpu
from jax.experimental.pallas import tpu_sc as plsc

VOCAB = 1000000
FEAT_DIM = 25
OUT_DIM = 64
BATCH = 16384
HIST = 20
TOTAL_ROWS = BATCH * HIST

PAIR_COLS = 16384
HALF_COLS = PAIR_COLS // 2
NUM_PAIR_BLOCKS = -(-VOCAB // PAIR_COLS)
P2_ROWS = NUM_PAIR_BLOCKS * HALF_COLS
LAST_HALF_BLOCK = -(-VOCAB // HALF_COLS) - 1
PROW = 128

NUM_WORKERS = 32
ROWS_PER_WORKER = TOTAL_ROWS // NUM_WORKERS
CHUNK = 128
GROUP_ROWS = 640
CHUNKS_PER_GROUP = GROUP_ROWS // CHUNK
NUM_GROUPS = ROWS_PER_WORKER // GROUP_ROWS

B_BLOCK = 64


def _project_body(ta_ref, tb_ref, w_ref, out_ref):
    pa = lax.dot_general(ta_ref[...], w_ref[...],
                         (((0,), (0,)), ((), ())),
                         preferred_element_type=jnp.float32)
    pb = lax.dot_general(tb_ref[...], w_ref[...],
                         (((0,), (0,)), ((), ())),
                         preferred_element_type=jnp.float32)
    out_ref[...] = jnp.concatenate([pa, pb], axis=1)


def _project(tableT, W):
    return pl.pallas_call(
        _project_body,
        grid=(NUM_PAIR_BLOCKS,),
        in_specs=[
            pl.BlockSpec((FEAT_DIM, HALF_COLS), lambda i: (0, 2 * i)),
            pl.BlockSpec((FEAT_DIM, HALF_COLS),
                         lambda i: (0, jnp.minimum(2 * i + 1, LAST_HALF_BLOCK))),
            pl.BlockSpec((FEAT_DIM, OUT_DIM), lambda i: (0, 0)),
        ],
        out_specs=pl.BlockSpec((HALF_COLS, PROW), lambda i: (i, 0)),
        out_shape=jax.ShapeDtypeStruct((P2_ROWS, PROW), jnp.float32),
    )(tableT, tableT, W)


def _sc_gather(idx_flat, P2):
    mesh = plsc.VectorSubcoreMesh(core_axis_name="c", subcore_axis_name="s")

    @functools.partial(
        pl.kernel,
        mesh=mesh,
        out_type=jax.ShapeDtypeStruct((TOTAL_ROWS, PROW), jnp.float32),
        scratch_types=[
            pltpu.VMEM((ROWS_PER_WORKER,), jnp.int32),
            pltpu.VMEM((GROUP_ROWS, PROW), jnp.float32),
            pltpu.SemaphoreType.DMA,
        ],
    )
    def k(idx_hbm, p_hbm, out_hbm, idx2_v, rows_v, sem):
        wid = lax.axis_index("s") * 2 + lax.axis_index("c")
        base = wid * ROWS_PER_WORKER
        pltpu.sync_copy(idx_hbm.at[pl.ds(base, ROWS_PER_WORKER)], idx2_v)

        def remap_body(i, _):
            v = idx2_v[pl.ds(i * 16, 16)]
            idx2_v[pl.ds(i * 16, 16)] = (
                lax.shift_left(lax.shift_right_logical(v, 14), 13)
                + lax.bitwise_and(v, 8191))
            return ()

        lax.fori_loop(0, ROWS_PER_WORKER // 16, remap_body, (), unroll=8)

        def group_body(g, _):
            descs = []
            for c in range(CHUNKS_PER_GROUP):
                src = p_hbm.at[idx2_v.at[pl.ds(g * GROUP_ROWS + c * CHUNK, CHUNK)]]
                dst = rows_v.at[pl.ds(c * CHUNK, CHUNK)]
                descs.append(pltpu.async_copy(src, dst, sem))
            for d in descs:
                d.wait()
            pltpu.sync_copy(rows_v,
                            out_hbm.at[pl.ds(base + g * GROUP_ROWS, GROUP_ROWS)])
            return ()

        lax.fori_loop(0, NUM_GROUPS, group_body, (), unroll=False)

    return k(idx_flat, P2)


def _extract_body(g_ref, p_ref, out_ref):
    g = g_ref[...]
    p = p_ref[...]
    out_ref[...] = jnp.where(p == 1, g[:, OUT_DIM:PROW], g[:, 0:OUT_DIM])


def _extract(G, p_flat):
    rows = B_BLOCK * HIST
    return pl.pallas_call(
        _extract_body,
        grid=(TOTAL_ROWS // rows,),
        in_specs=[
            pl.BlockSpec((rows, PROW), lambda i: (i, 0)),
            pl.BlockSpec((rows, 1), lambda i: (i, 0)),
        ],
        out_specs=pl.BlockSpec((rows, OUT_DIM), lambda i: (i, 0)),
        out_shape=jax.ShapeDtypeStruct((TOTAL_ROWS, OUT_DIM), jnp.float32),
    )(G, p_flat)


def kernel(nodes, table, W):
    tableT = table.T
    P2 = _project(tableT, W)
    idx_flat = nodes.reshape(TOTAL_ROWS)
    G = _sc_gather(idx_flat, P2)
    p3 = lax.bitwise_and(lax.shift_right_logical(nodes, 13), 1)
    G3 = G.reshape(BATCH, HIST, PROW)
    return jnp.where((p3 == 1)[:, :, None],
                     G3[:, :, OUT_DIM:PROW], G3[:, :, 0:OUT_DIM])

# --- scband reference (transcript-rebuilt; emitter-appended) ---
"""Pipeline reference for scband-mlp-28630251995137 (READ-ONLY COPY).

The authoritative reference and input builder live on the scoring server;
editing this copy changes nothing except your own understanding.
"""

import jax, jax.numpy as jnp
import numpy as np

VOCAB = 1000000
FEAT_DIM = 25
OUT_DIM = 64
BATCH = 16384
HIST = 20

def setup_inputs(seed: int = 0) -> dict:
    key = jax.random.key(seed)
    k1, k2, k3 = jax.random.split(key, 3)
    nodes = jax.random.randint(k1, (BATCH, HIST), 0, VOCAB, dtype=jnp.int32)
    # feat_data: the constant embedding table baked into the module via Constant initializer
    table = jax.random.normal(k2, (VOCAB, FEAT_DIM), dtype=jnp.float32)
    # mlp_weights: Glorot-uniform initialized trainable weights of shape (25, output_dim)
    limit = jnp.sqrt(6.0 / (FEAT_DIM + OUT_DIM))
    W = jax.random.uniform(k3, (FEAT_DIM, OUT_DIM), dtype=jnp.float32, minval=-limit, maxval=limit)
    return {"nodes": nodes, "table": table, "W": W}

def reference(nodes, table, W):
    # Embedding lookup (gather) followed by dense matmul, faithful to
    # tf.linalg.matmul(features(nodes), mlp_weights)
    features = jnp.take(table, nodes, axis=0)  # [B, L, 25]
    result = jnp.matmul(features, W)           # [B, L, 64]
    return result

if __name__ == "__main__":
    import jax
    _d = setup_inputs()
    print(jax.jit(kernel)(*tuple(_d.values())))

</pallas_src>

<mosaic_0001>
#map = affine_map<(d0, d1) -> (0)>
#map1 = affine_map<(d0, d1) -> (0, 0)>
module attributes {stable_mosaic.version = 14 : i64} {
  func.func @k(%arg0: i32, %arg1: i32, %arg2: memref<327680xi32, #tpu.memory_space<hbm>>, %arg3: memref<507904x128xf32, #tpu.memory_space<hbm>>, %arg4: memref<327680x128xf32, #tpu.memory_space<hbm>>, %arg5: memref<10240xi32, #tpu.memory_space<vmem>>, %arg6: memref<640x128xf32, #tpu.memory_space<vmem>>, %arg7: memref<!tpu.dma_semaphore, #tpu.memory_space<semaphore_mem>>) attributes {dimension_semantics = [#tpu.dimension_semantics<core_parallel>, #tpu.dimension_semantics<subcore_parallel>], iteration_bounds = array<i64: 2, 16>, scalar_prefetch = 0 : i64, scratch_operands = 3 : i64, tpu.core_type = #tpu.core_type<sc_vector_subcore>, window_params = [{transform_indices = #map}, {transform_indices = #map1}, {transform_indices = #map1}]} {
    %mul3A = arith.constant 2 : i32
    %mul3A_0 = arith.muli %arg1, %mul3A : i32
    %add3A = arith.addi %mul3A_0, %arg0 : i32
    %mul3A_1 = arith.constant 10240 : i32
    %mul3A_2 = arith.muli %add3A, %mul3A_1 : i32
    "tpu.region"() ({
      %run_scoped3A = tpu.sem_alloc : memref<!tpu.dma_semaphore, #tpu.memory_space<semaphore_mem>>
      %dma_start3A = tpu.memref_slice %arg2[%mul3A_2] : memref<327680xi32, #tpu.memory_space<hbm>> -> memref<10240xi32, #tpu.memory_space<hbm>>
      %dma_start3A_12 = tpu.memref_slice %arg2[%mul3A_2] : memref<327680xi32, #tpu.memory_space<hbm>> -> memref<10240xi32, #tpu.memory_space<hbm>>
      tpu.enqueue_dma source(%dma_start3A_12 : memref<10240xi32, #tpu.memory_space<hbm>>) target(%arg5 : memref<10240xi32, #tpu.memory_space<vmem>>) target_semaphore(%run_scoped3A : memref<!tpu.dma_semaphore, #tpu.memory_space<semaphore_mem>>)
      %dma_wait3A = tpu.memref_slice %arg2[%mul3A_2] : memref<327680xi32, #tpu.memory_space<hbm>> -> memref<10240xi32, #tpu.memory_space<hbm>>
      %dma_wait3A_13 = tpu.memref_slice %arg2[%mul3A_2] : memref<327680xi32, #tpu.memory_space<hbm>> -> memref<10240xi32, #tpu.memory_space<hbm>>
      tpu.wait_dma2 semaphore(%run_scoped3A : memref<!tpu.dma_semaphore, #tpu.memory_space<semaphore_mem>>) src(%dma_wait3A_13 : memref<10240xi32, #tpu.memory_space<hbm>>) dst(%arg5 : memref<10240xi32, #tpu.memory_space<vmem>>)
      tpu.yield
    }) : () -> ()
    %scan3A = arith.constant 0 : i32
    %scan3A_3 = arith.constant 640 : i32
    %scan3A_4 = arith.addi %scan3A, %scan3A_3 : i32
    %scan3A_5 = arith.constant 8 : i32
    scf.for %scan3A_12 = %scan3A to %scan3A_4 step %scan3A_5  : i32 {
      %mul3A_13 = arith.constant 16 : i32
      %mul3A_14 = arith.muli %scan3A_12, %mul3A_13 : i32
      %get3A = arith.index_cast %mul3A_14 : i32 to index
      %get3A_15 = tpu.vector_load %arg5[%get3A] {strides = array<i32>} : memref<10240xi32, #tpu.memory_space<vmem>>, vector<16xi32>,
      %get3A_16 = vector.shape_cast %get3A_15 : vector<16xi32> to vector<16xi32>
      %shift_right_logical3A = arith.constant 14 : i32
      %shift_right_logical3A_17 = vector.broadcast %shift_right_logical3A : i32 to vector<16xi32>
      %shift_right_logical3A_18 = arith.shrui %get3A_16, %shift_right_logical3A_17 : vector<16xi32>
      %shift_left3A = arith.constant 13 : i32
      %shift_left3A_19 = vector.broadcast %shift_left3A : i32 to vector<16xi32>
      %shift_left3A_20 = arith.shli %shift_right_logical3A_18, %shift_left3A_19 : vector<16xi32>
      %and3A = arith.constant 8191 : i32
      %and3A_21 = vector.broadcast %and3A : i32 to vector<16xi32>
      %and3A_22 = arith.andi %get3A_16, %and3A_21 : vector<16xi32>
      %add3A_23 = arith.addi %shift_left3A_20, %and3A_22 : vector<16xi32>
      %mul3A_24 = arith.constant 16 : i32
      %mul3A_25 = arith.muli %scan3A_12, %mul3A_24 : i32
      %swap3A = arith.index_cast %mul3A_25 : i32 to index
      %swap3A_26 = tpu.vector_load %arg5[%swap3A] {strides = array<i32>} : memref<10240xi32, #tpu.memory_space<vmem>>, vector<16xi32>,
      %swap3A_27 = vector.shape_cast %swap3A_26 : vector<16xi32> to vector<16xi32>
      %swap3A_28 = vector.shape_cast %add3A_23 : vector<16xi32> to vector<16xi32>
      tpu.vector_store %arg5[%swap3A], %swap3A_28 {strides = array<i32>} : memref<10240xi32, #tpu.memory_space<vmem>>, vector<16xi32>,
      %scan3A_29 = arith.constant 1 : i32
      %scan3A_30 = arith.addi %scan3A_12, %scan3A_29 : i32
      %mul3A_31 = arith.constant 16 : i32
      %mul3A_32 = arith.muli %scan3A_30, %mul3A_31 : i32
      %get3A_33 = arith.index_cast %mul3A_32 : i32 to index
      %get3A_34 = tpu.vector_load %arg5[%get3A_33] {strides = array<i32>} : memref<10240xi32, #tpu.memory_space<vmem>>, vector<16xi32>,
      %get3A_35 = vector.shape_cast %get3A_34 : vector<16xi32> to vector<16xi32>
      %shift_right_logical3A_36 = arith.constant 14 : i32
      %shift_right_logical3A_37 = vector.broadcast %shift_right_logical3A_36 : i32 to vector<16xi32>
      %shift_right_logical3A_38 = arith.shrui %get3A_35, %shift_right_logical3A_37 : vector<16xi32>
      %shift_left3A_39 = arith.constant 13 : i32
      %shift_left3A_40 = vector.broadcast %shift_left3A_39 : i32 to vector<16xi32>
      %shift_left3A_41 = arith.shli %shift_right_logical3A_38, %shift_left3A_40 : vector<16xi32>
      %and3A_42 = arith.constant 8191 : i32
      %and3A_43 = vector.broadcast %and3A_42 : i32 to vector<16xi32>
      %and3A_44 = arith.andi %get3A_35, %and3A_43 : vector<16xi32>
      %add3A_45 = arith.addi %shift_left3A_41, %and3A_44 : vector<16xi32>
      %mul3A_46 = arith.constant 16 : i32
      %mul3A_47 = arith.muli %scan3A_30, %mul3A_46 : i32
      %swap3A_48 = arith.index_cast %mul3A_47 : i32 to index
      %swap3A_49 = tpu.vector_load %arg5[%swap3A_48] {strides = array<i32>} : memref<10240xi32, #tpu.memory_space<vmem>>, vector<16xi32>,
      %swap3A_50 = vector.shape_cast %swap3A_49 : vector<16xi32> to vector<16xi32>
      %swap3A_51 = vector.shape_cast %add3A_45 : vector<16xi32> to vector<16xi32>
      tpu.vector_store %arg5[%swap3A_48], %swap3A_51 {strides = array<i32>} : memref<10240xi32, #tpu.memory_space<vmem>>, vector<16xi32>,
      %scan3A_52 = arith.constant 2 : i32
      %scan3A_53 = arith.addi %scan3A_12, %scan3A_52 : i32
      %mul3A_54 = arith.constant 16 : i32
      %mul3A_55 = arith.muli %scan3A_53, %mul3A_54 : i32
      %get3A_56 = arith.index_cast %mul3A_55 : i32 to index
      %get3A_57 = tpu.vector_load %arg5[%get3A_56] {strides = array<i32>} : memref<10240xi32, #tpu.memory_space<vmem>>, vector<16xi32>,
      %get3A_58 = vector.shape_cast %get3A_57 : vector<16xi32> to vector<16xi32>
      %shift_right_logical3A_59 = arith.constant 14 : i32
      %shift_right_logical3A_60 = vector.broadcast %shift_right_logical3A_59 : i32 to vector<16xi32>
      %shift_right_logical3A_61 = arith.shrui %get3A_58, %shift_right_logical3A_60 : vector<16xi32>
      %shift_left3A_62 = arith.constant 13 : i32
      %shift_left3A_63 = vector.broadcast %shift_left3A_62 : i32 to vector<16xi32>
      %shift_left3A_64 = arith.shli %shift_right_logical3A_61, %shift_left3A_63 : vector<16xi32>
      %and3A_65 = arith.constant 8191 : i32
      %and3A_66 = vector.broadcast %and3A_65 : i32 to vector<16xi32>
      %and3A_67 = arith.andi %get3A_58, %and3A_66 : vector<16xi32>
      %add3A_68 = arith.addi %shift_left3A_64, %and3A_67 : vector<16xi32>
      %mul3A_69 = arith.constant 16 : i32
      %mul3A_70 = arith.muli %scan3A_53, %mul3A_69 : i32
      %swap3A_71 = arith.index_cast %mul3A_70 : i32 to index
      %swap3A_72 = tpu.vector_load %arg5[%swap3A_71] {strides = array<i32>} : memref<10240xi32, #tpu.memory_space<vmem>>, vector<16xi32>,
      %swap3A_73 = vector.shape_cast %swap3A_72 : vector<16xi32> to vector<16xi32>
      %swap3A_74 = vector.shape_cast %add3A_68 : vector<16xi32> to vector<16xi32>
      tpu.vector_store %arg5[%swap3A_71], %swap3A_74 {strides = array<i32>} : memref<10240xi32, #tpu.memory_space<vmem>>, vector<16xi32>,
      %scan3A_75 = arith.constant 3 : i32
      %scan3A_76 = arith.addi %scan3A_12, %scan3A_75 : i32
      %mul3A_77 = arith.constant 16 : i32
      %mul3A_78 = arith.muli %scan3A_76, %mul3A_77 : i32
      %get3A_79 = arith.index_cast %mul3A_78 : i32 to index
      %get3A_80 = tpu.vector_load %arg5[%get3A_79] {strides = array<i32>} : memref<10240xi32, #tpu.memory_space<vmem>>, vector<16xi32>,
      %get3A_81 = vector.shape_cast %get3A_80 : vector<16xi32> to vector<16xi32>
      %shift_right_logical3A_82 = arith.constant 14 : i32
      %shift_right_logical3A_83 = vector.broadcast %shift_right_logical3A_82 : i32 to vector<16xi32>
      %shift_right_logical3A_84 = arith.shrui %get3A_81, %shift_right_logical3A_83 : vector<16xi32>
      %shift_left3A_85 = arith.constant 13 : i32
      %shift_left3A_86 = vector.broadcast %shift_left3A_85 : i32 to vector<16xi32>
      %shift_left3A_87 = arith.shli %shift_right_logical3A_84, %shift_left3A_86 : vector<16xi32>
      %and3A_88 = arith.constant 8191 : i32
      %and3A_89 = vector.broadcast %and3A_88 : i32 to vector<16xi32>
      %and3A_90 = arith.andi %get3A_81, %and3A_89 : vector<16xi32>
      %add3A_91 = arith.addi %shift_left3A_87, %and3A_90 : vector<16xi32>
      %mul3A_92 = arith.constant 16 : i32
      %mul3A_93 = arith.muli %scan3A_76, %mul3A_92 : i32
      %swap3A_94 = arith.index_cast %mul3A_93 : i32 to index
      %swap3A_95 = tpu.vector_load %arg5[%swap3A_94] {strides = array<i32>} : memref<10240xi32, #tpu.memory_space<vmem>>, vector<16xi32>,
      %swap3A_96 = vector.shape_cast %swap3A_95 : vector<16xi32> to vector<16xi32>
      %swap3A_97 = vector.shape_cast %add3A_91 : vector<16xi32> to vector<16xi32>
      tpu.vector_store %arg5[%swap3A_94], %swap3A_97 {strides = array<i32>} : memref<10240xi32, #tpu.memory_space<vmem>>, vector<16xi32>,
      %scan3A_98 = arith.constant 4 : i32
      %scan3A_99 = arith.addi %scan3A_12, %scan3A_98 : i32
      %mul3A_100 = arith.constant 16 : i32
      %mul3A_101 = arith.muli %scan3A_99, %mul3A_100 : i32
      %get3A_102 = arith.index_cast %mul3A_101 : i32 to index
      %get3A_103 = tpu.vector_load %arg5[%get3A_102] {strides = array<i32>} : memref<10240xi32, #tpu.memory_space<vmem>>, vector<16xi32>,
      %get3A_104 = vector.shape_cast %get3A_103 : vector<16xi32> to vector<16xi32>
      %shift_right_logical3A_105 = arith.constant 14 : i32
      %shift_right_logical3A_106 = vector.broadcast %shift_right_logical3A_105 : i32 to vector<16xi32>
      %shift_right_logical3A_107 = arith.shrui %get3A_104, %shift_right_logical3A_106 : vector<16xi32>
      %shift_left3A_108 = arith.constant 13 : i32
      %shift_left3A_109 = vector.broadcast %shift_left3A_108 : i32 to vector<16xi32>
      %shift_left3A_110 = arith.shli %shift_right_logical3A_107, %shift_left3A_109 : vector<16xi32>
      %and3A_111 = arith.constant 8191 : i32
      %and3A_112 = vector.broadcast %and3A_111 : i32 to vector<16xi32>
      %and3A_113 = arith.andi %get3A_104, %and3A_112 : vector<16xi32>
      %add3A_114 = arith.addi %shift_left3A_110, %and3A_113 : vector<16xi32>
      %mul3A_115 = arith.constant 16 : i32
      %mul3A_116 = arith.muli %scan3A_99, %mul3A_115 : i32
      %swap3A_117 = arith.index_cast %mul3A_116 : i32 to index
      %swap3A_118 = tpu.vector_load %arg5[%swap3A_117] {strides = array<i32>} : memref<10240xi32, #tpu.memory_space<vmem>>, vector<16xi32>,
      %swap3A_119 = vector.shape_cast %swap3A_118 : vector<16xi32> to vector<16xi32>
      %swap3A_120 = vector.shape_cast %add3A_114 : vector<16xi32> to vector<16xi32>
      tpu.vector_store %arg5[%swap3A_117], %swap3A_120 {strides = array<i32>} : memref<10240xi32, #tpu.memory_space<vmem>>, vector<16xi32>,
      %scan3A_121 = arith.constant 5 : i32
      %scan3A_122 = arith.addi %scan3A_12, %scan3A_121 : i32
      %mul3A_123 = arith.constant 16 : i32
      %mul3A_124 = arith.muli %scan3A_122, %mul3A_123 : i32
      %get3A_125 = arith.index_cast %mul3A_124 : i32 to index
      %get3A_126 = tpu.vector_load %arg5[%get3A_125] {strides = array<i32>} : memref<10240xi32, #tpu.memory_space<vmem>>, vector<16xi32>,
      %get3A_127 = vector.shape_cast %get3A_126 : vector<16xi32> to vector<16xi32>
      %shift_right_logical3A_128 = arith.constant 14 : i32
      %shift_right_logical3A_129 = vector.broadcast %shift_right_logical3A_128 : i32 to vector<16xi32>
      %shift_right_logical3A_130 = arith.shrui %get3A_127, %shift_right_logical3A_129 : vector<16xi32>
      %shift_left3A_131 = arith.constant 13 : i32
      %shift_left3A_132 = vector.broadcast %shift_left3A_131 : i32 to vector<16xi32>
      %shift_left3A_133 = arith.shli %shift_right_logical3A_130, %shift_left3A_132 : vector<16xi32>
      %and3A_134 = arith.constant 8191 : i32
      %and3A_135 = vector.broadcast %and3A_134 : i32 to vector<16xi32>
      %and3A_136 = arith.andi %get3A_127, %and3A_135 : vector<16xi32>
      %add3A_137 = arith.addi %shift_left3A_133, %and3A_136 : vector<16xi32>
      %mul3A_138 = arith.constant 16 : i32
      %mul3A_139 = arith.muli %scan3A_122, %mul3A_138 : i32
      %swap3A_140 = arith.index_cast %mul3A_139 : i32 to index
      %swap3A_141 = tpu.vector_load %arg5[%swap3A_140] {strides = array<i32>} : memref<10240xi32, #tpu.memory_space<vmem>>, vector<16xi32>,
      %swap3A_142 = vector.shape_cast %swap3A_141 : vector<16xi32> to vector<16xi32>
      %swap3A_143 = vector.shape_cast %add3A_137 : vector<16xi32> to vector<16xi32>
      tpu.vector_store %arg5[%swap3A_140], %swap3A_143 {strides = array<i32>} : memref<10240xi32, #tpu.memory_space<vmem>>, vector<16xi32>,
      %scan3A_144 = arith.constant 6 : i32
      %scan3A_145 = arith.addi %scan3A_12, %scan3A_144 : i32
      %mul3A_146 = arith.constant 16 : i32
      %mul3A_147 = arith.muli %scan3A_145, %mul3A_146 : i32
      %get3A_148 = arith.index_cast %mul3A_147 : i32 to index
      %get3A_149 = tpu.vector_load %arg5[%get3A_148] {strides = array<i32>} : memref<10240xi32, #tpu.memory_space<vmem>>, vector<16xi32>,
      %get3A_150 = vector.shape_cast %get3A_149 : vector<16xi32> to vector<16xi32>
      %shift_right_logical3A_151 = arith.constant 14 : i32
      %shift_right_logical3A_152 = vector.broadcast %shift_right_logical3A_151 : i32 to vector<16xi32>
      %shift_right_logical3A_153 = arith.shrui %get3A_150, %shift_right_logical3A_152 : vector<16xi32>
      %shift_left3A_154 = arith.constant 13 : i32
      %shift_left3A_155 = vector.broadcast %shift_left3A_154 : i32 to vector<16xi32>
      %shift_left3A_156 = arith.shli %shift_right_logical3A_153, %shift_left3A_155 : vector<16xi32>
      %and3A_157 = arith.constant 8191 : i32
      %and3A_158 = vector.broadcast %and3A_157 : i32 to vector<16xi32>
      %and3A_159 = arith.andi %get3A_150, %and3A_158 : vector<16xi32>
      %add3A_160 = arith.addi %shift_left3A_156, %and3A_159 : vector<16xi32>
      %mul3A_161 = arith.constant 16 : i32
      %mul3A_162 = arith.muli %scan3A_145, %mul3A_161 : i32
      %swap3A_163 = arith.index_cast %mul3A_162 : i32 to index
      %swap3A_164 = tpu.vector_load %arg5[%swap3A_163] {strides = array<i32>} : memref<10240xi32, #tpu.memory_space<vmem>>, vector<16xi32>,
      %swap3A_165 = vector.shape_cast %swap3A_164 : vector<16xi32> to vector<16xi32>
      %swap3A_166 = vector.shape_cast %add3A_160 : vector<16xi32> to vector<16xi32>
      tpu.vector_store %arg5[%swap3A_163], %swap3A_166 {strides = array<i32>} : memref<10240xi32, #tpu.memory_space<vmem>>, vector<16xi32>,
      %scan3A_167 = arith.constant 7 : i32
      %scan3A_168 = arith.addi %scan3A_12, %scan3A_167 : i32
      %mul3A_169 = arith.constant 16 : i32
      %mul3A_170 = arith.muli %scan3A_168, %mul3A_169 : i32
      %get3A_171 = arith.index_cast %mul3A_170 : i32 to index
      %get3A_172 = tpu.vector_load %arg5[%get3A_171] {strides = array<i32>} : memref<10240xi32, #tpu.memory_space<vmem>>, vector<16xi32>,
      %get3A_173 = vector.shape_cast %get3A_172 : vector<16xi32> to vector<16xi32>
      %shift_right_logical3A_174 = arith.constant 14 : i32
      %shift_right_logical3A_175 = vector.broadcast %shift_right_logical3A_174 : i32 to vector<16xi32>
      %shift_right_logical3A_176 = arith.shrui %get3A_173, %shift_right_logical3A_175 : vector<16xi32>
      %shift_left3A_177 = arith.constant 13 : i32
      %shift_left3A_178 = vector.broadcast %shift_left3A_177 : i32 to vector<16xi32>
      %shift_left3A_179 = arith.shli %shift_right_logical3A_176, %shift_left3A_178 : vector<16xi32>
      %and3A_180 = arith.constant 8191 : i32
      %and3A_181 = vector.broadcast %and3A_180 : i32 to vector<16xi32>
      %and3A_182 = arith.andi %get3A_173, %and3A_181 : vector<16xi32>
      %add3A_183 = arith.addi %shift_left3A_179, %and3A_182 : vector<16xi32>
      %mul3A_184 = arith.constant 16 : i32
      %mul3A_185 = arith.muli %scan3A_168, %mul3A_184 : i32
      %swap3A_186 = arith.index_cast %mul3A_185 : i32 to index
      %swap3A_187 = tpu.vector_load %arg5[%swap3A_186] {strides = array<i32>} : memref<10240xi32, #tpu.memory_space<vmem>>, vector<16xi32>,
      %swap3A_188 = vector.shape_cast %swap3A_187 : vector<16xi32> to vector<16xi32>
      %swap3A_189 = vector.shape_cast %add3A_183 : vector<16xi32> to vector<16xi32>
      tpu.vector_store %arg5[%swap3A_186], %swap3A_189 {strides = array<i32>} : memref<10240xi32, #tpu.memory_space<vmem>>, vector<16xi32>,
    }
    %scan3A_6 = arith.constant 640 : i32
    %scan3A_7 = arith.constant 0 : i32
    %scan3A_8 = arith.constant 16 : i32
    %scan3A_9 = arith.addi %scan3A_7, %scan3A_8 : i32
    %scan3A_10 = arith.constant 1 : i32
    scf.for %scan3A_12 = %scan3A_7 to %scan3A_9 step %scan3A_10  : i32 {
      %mul3A_13 = arith.constant 640 : i32
      %mul3A_14 = arith.muli %scan3A_12, %mul3A_13 : i32
      %add3A_15 = arith.constant 0 : i32
      %add3A_16 = arith.addi %mul3A_14, %add3A_15 : i32
      %dma_start3A = arith.constant 0 : i32
      %dma_start3A_17 = arith.constant 0 : i32
      %dma_start3A_18 = tpu.memref_slice %arg6[%dma_start3A, %dma_start3A_17] : memref<640x128xf32, #tpu.memory_space<vmem>> -> memref<128x128xf32, #tpu.memory_space<vmem>>
      %dma_start3A_19 = tpu.memref_slice %arg5[%add3A_16] : memref<10240xi32, #tpu.memory_space<vmem>> -> memref<128xi32, #tpu.memory_space<vmem>>
      %dma_start3A_20 = arith.constant 0 : i32
      %dma_start3A_21 = arith.constant 0 : i32
      %dma_start3A_22 = tpu.memref_slice %arg3[%dma_start3A_20, %dma_start3A_21] : memref<507904x128xf32, #tpu.memory_space<hbm>> -> memref<507904x128xf32, #tpu.memory_space<hbm>>
      tpu.enqueue_indirect_dma source(%dma_start3A_22 : memref<507904x128xf32, #tpu.memory_space<hbm>>) target(%dma_start3A_18 : memref<128x128xf32, #tpu.memory_space<vmem>>) offsets(%dma_start3A_19 : memref<128xi32, #tpu.memory_space<vmem>>) semaphore(%arg7 : memref<!tpu.dma_semaphore, #tpu.memory_space<semaphore_mem>>)
      %mul3A_23 = arith.constant 640 : i32
      %mul3A_24 = arith.muli %scan3A_12, %mul3A_23 : i32
      %add3A_25 = arith.constant 128 : i32
      %add3A_26 = arith.addi %mul3A_24, %add3A_25 : i32
      %dma_start3A_27 = arith.constant 128 : i32
      %dma_start3A_28 = arith.constant 0 : i32
      %dma_start3A_29 = tpu.memref_slice %arg6[%dma_start3A_27, %dma_start3A_28] : memref<640x128xf32, #tpu.memory_space<vmem>> -> memref<128x128xf32, #tpu.memory_space<vmem>>
      %dma_start3A_30 = tpu.memref_slice %arg5[%add3A_26] : memref<10240xi32, #tpu.memory_space<vmem>> -> memref<128xi32, #tpu.memory_space<vmem>>
      %dma_start3A_31 = arith.constant 0 : i32
      %dma_start3A_32 = arith.constant 0 : i32
      %dma_start3A_33 = tpu.memref_slice %arg3[%dma_start3A_31, %dma_start3A_32] : memref<507904x128xf32, #tpu.memory_space<hbm>> -> memref<507904x128xf32, #tpu.memory_space<hbm>>
      tpu.enqueue_indirect_dma source(%dma_start3A_33 : memref<507904x128xf32, #tpu.memory_space<hbm>>) target(%dma_start3A_29 : memref<128x128xf32, #tpu.memory_space<vmem>>) offsets(%dma_start3A_30 : memref<128xi32, #tpu.memory_space<vmem>>) semaphore(%arg7 : memref<!tpu.dma_semaphore, #tpu.memory_space<semaphore_mem>>)
      %mul3A_34 = arith.constant 640 : i32
      %mul3A_35 = arith.muli %scan3A_12, %mul3A_34 : i32
      %add3A_36 = arith.constant 256 : i32
      %add3A_37 = arith.addi %mul3A_35, %add3A_36 : i32
      %dma_start3A_38 = arith.constant 256 : i32
      %dma_start3A_39 = arith.constant 0 : i32
      %dma_start3A_40 = tpu.memref_slice %arg6[%dma_start3A_38, %dma_start3A_39] : memref<640x128xf32, #tpu.memory_space<vmem>> -> memref<128x128xf32, #tpu.memory_space<vmem>>
      %dma_start3A_41 = tpu.memref_slice %arg5[%add3A_37] : memref<10240xi32, #tpu.memory_space<vmem>> -> memref<128xi32, #tpu.memory_space<vmem>>
      %dma_start3A_42 = arith.constant 0 : i32
      %dma_start3A_43 = arith.constant 0 : i32
      %dma_start3A_44 = tpu.memref_slice %arg3[%dma_start3A_42, %dma_start3A_43] : memref<507904x128xf32, #tpu.memory_space<hbm>> -> memref<507904x128xf32, #tpu.memory_space<hbm>>
      tpu.enqueue_indirect_dma source(%dma_start3A_44 : memref<507904x128xf32, #tpu.memory_space<hbm>>) target(%dma_start3A_40 : memref<128x128xf32, #tpu.memory_space<vmem>>) offsets(%dma_start3A_41 : memref<128xi32, #tpu.memory_space<vmem>>) semaphore(%arg7 : memref<!tpu.dma_semaphore, #tpu.memory_space<semaphore_mem>>)
      %mul3A_45 = arith.constant 640 : i32
      %mul3A_46 = arith.muli %scan3A_12, %mul3A_45 : i32
      %add3A_47 = arith.constant 384 : i32
      %add3A_48 = arith.addi %mul3A_46, %add3A_47 : i32
      %dma_start3A_49 = arith.constant 384 : i32
      %dma_start3A_50 = arith.constant 0 : i32
      %dma_start3A_51 = tpu.memref_slice %arg6[%dma_start3A_49, %dma_start3A_50] : memref<640x128xf32, #tpu.memory_space<vmem>> -> memref<128x128xf32, #tpu.memory_space<vmem>>
      %dma_start3A_52 = tpu.memref_slice %arg5[%add3A_48] : memref<10240xi32, #tpu.memory_space<vmem>> -> memref<128xi32, #tpu.memory_space<vmem>>
      %dma_start3A_53 = arith.constant 0 : i32
      %dma_start3A_54 = arith.constant 0 : i32
      %dma_start3A_55 = tpu.memref_slice %arg3[%dma_start3A_53, %dma_start3A_54] : memref<507904x128xf32, #tpu.memory_space<hbm>> -> memref<507904x128xf32, #tpu.memory_space<hbm>>
      tpu.enqueue_indirect_dma source(%dma_start3A_55 : memref<507904x128xf32, #tpu.memory_space<hbm>>) target(%dma_start3A_51 : memref<128x128xf32, #tpu.memory_space<vmem>>) offsets(%dma_start3A_52 : memref<128xi32, #tpu.memory_space<vmem>>) semaphore(%arg7 : memref<!tpu.dma_semaphore, #tpu.memory_space<semaphore_mem>>)
      %mul3A_56 = arith.constant 640 : i32
      %mul3A_57 = arith.muli %scan3A_12, %mul3A_56 : i32
      %add3A_58 = arith.constant 512 : i32
      %add3A_59 = arith.addi %mul3A_57, %add3A_58 : i32
      %dma_start3A_60 = arith.constant 512 : i32
      %dma_start3A_61 = arith.constant 0 : i32
      %dma_start3A_62 = tpu.memref_slice %arg6[%dma_start3A_60, %dma_start3A_61] : memref<640x128xf32, #tpu.memory_space<vmem>> -> memref<128x128xf32, #tpu.memory_space<vmem>>
      %dma_start3A_63 = tpu.memref_slice %arg5[%add3A_59] : memref<10240xi32, #tpu.memory_space<vmem>> -> memref<128xi32, #tpu.memory_space<vmem>>
      %dma_start3A_64 = arith.constant 0 : i32
      %dma_start3A_65 = arith.constant 0 : i32
      %dma_start3A_66 = tpu.memref_slice %arg3[%dma_start3A_64, %dma_start3A_65] : memref<507904x128xf32, #tpu.memory_space<hbm>> -> memref<507904x128xf32, #tpu.memory_space<hbm>>
      tpu.enqueue_indirect_dma source(%dma_start3A_66 : memref<507904x128xf32, #tpu.memory_space<hbm>>) target(%dma_start3A_62 : memref<128x128xf32, #tpu.memory_space<vmem>>) offsets(%dma_start3A_63 : memref<128xi32, #tpu.memory_space<vmem>>) semaphore(%arg7 : memref<!tpu.dma_semaphore, #tpu.memory_space<semaphore_mem>>)
      %dma_wait3A = arith.constant 0 : i32
      %dma_wait3A_67 = arith.constant 0 : i32
      %dma_wait3A_68 = tpu.memref_slice %arg6[%dma_wait3A, %dma_wait3A_67] : memref<640x128xf32, #tpu.memory_space<vmem>> -> memref<128x128xf32, #tpu.memory_space<vmem>>
      %dma_wait3A_69 = tpu.memref_slice %arg5[%add3A_16] : memref<10240xi32, #tpu.memory_space<vmem>> -> memref<128xi32, #tpu.memory_space<vmem>>
      %dma_wait3A_70 = arith.constant 0 : i32
      %dma_wait3A_71 = arith.constant 0 : i32
      %dma_wait3A_72 = tpu.memref_slice %arg3[%dma_wait3A_70, %dma_wait3A_71] : memref<507904x128xf32, #tpu.memory_space<hbm>> -> memref<507904x128xf32, #tpu.memory_space<hbm>>
      tpu.wait_indirect_dma semaphore(%arg7 : memref<!tpu.dma_semaphore, #tpu.memory_space<semaphore_mem>>) src(%dma_wait3A_72 : memref<507904x128xf32, #tpu.memory_space<hbm>>) dst(%dma_wait3A_68 : memref<128x128xf32, #tpu.memory_space<vmem>>)
      %dma_wait3A_73 = arith.constant 128 : i32
      %dma_wait3A_74 = arith.constant 0 : i32
      %dma_wait3A_75 = tpu.memref_slice %arg6[%dma_wait3A_73, %dma_wait3A_74] : memref<640x128xf32, #tpu.memory_space<vmem>> -> memref<128x128xf32, #tpu.memory_space<vmem>>
      %dma_wait3A_76 = tpu.memref_slice %arg5[%add3A_26] : memref<10240xi32, #tpu.memory_space<vmem>> -> memref<128xi32, #tpu.memory_space<vmem>>
      %dma_wait3A_77 = arith.constant 0 : i32
      %dma_wait3A_78 = arith.constant 0 : i32
      %dma_wait3A_79 = tpu.memref_slice %arg3[%dma_wait3A_77, %dma_wait3A_78] : memref<507904x128xf32, #tpu.memory_space<hbm>> -> memref<507904x128xf32, #tpu.memory_space<hbm>>
      tpu.wait_indirect_dma semaphore(%arg7 : memref<!tpu.dma_semaphore, #tpu.memory_space<semaphore_mem>>) src(%dma_wait3A_79 : memref<507904x128xf32, #tpu.memory_space<hbm>>) dst(%dma_wait3A_75 : memref<128x128xf32, #tpu.memory_space<vmem>>)
      %dma_wait3A_80 = arith.constant 256 : i32
      %dma_wait3A_81 = arith.constant 0 : i32
      %dma_wait3A_82 = tpu.memref_slice %arg6[%dma_wait3A_80, %dma_wait3A_81] : memref<640x128xf32, #tpu.memory_space<vmem>> -> memref<128x128xf32, #tpu.memory_space<vmem>>
      %dma_wait3A_83 = tpu.memref_slice %arg5[%add3A_37] : memref<10240xi32, #tpu.memory_space<vmem>> -> memref<128xi32, #tpu.memory_space<vmem>>
      %dma_wait3A_84 = arith.constant 0 : i32
      %dma_wait3A_85 = arith.constant 0 : i32
      %dma_wait3A_86 = tpu.memref_slice %arg3[%dma_wait3A_84, %dma_wait3A_85] : memref<507904x128xf32, #tpu.memory_space<hbm>> -> memref<507904x128xf32, #tpu.memory_space<hbm>>
      tpu.wait_indirect_dma semaphore(%arg7 : memref<!tpu.dma_semaphore, #tpu.memory_space<semaphore_mem>>) src(%dma_wait3A_86 : memref<507904x128xf32, #tpu.memory_space<hbm>>) dst(%dma_wait3A_82 : memref<128x128xf32, #tpu.memory_space<vmem>>)
      %dma_wait3A_87 = arith.constant 384 : i32
      %dma_wait3A_88 = arith.constant 0 : i32
      %dma_wait3A_89 = tpu.memref_slice %arg6[%dma_wait3A_87, %dma_wait3A_88] : memref<640x128xf32, #tpu.memory_space<vmem>> -> memref<128x128xf32, #tpu.memory_space<vmem>>
      %dma_wait3A_90 = tpu.memref_slice %arg5[%add3A_48] : memref<10240xi32, #tpu.memory_space<vmem>> -> memref<128xi32, #tpu.memory_space<vmem>>
      %dma_wait3A_91 = arith.constant 0 : i32
      %dma_wait3A_92 = arith.constant 0 : i32
      %dma_wait3A_93 = tpu.memref_slice %arg3[%dma_wait3A_91, %dma_wait3A_92] : memref<507904x128xf32, #tpu.memory_space<hbm>> -> memref<507904x128xf32, #tpu.memory_space<hbm>>
      tpu.wait_indirect_dma semaphore(%arg7 : memref<!tpu.dma_semaphore, #tpu.memory_space<semaphore_mem>>) src(%dma_wait3A_93 : memref<507904x128xf32, #tpu.memory_space<hbm>>) dst(%dma_wait3A_89 : memref<128x128xf32, #tpu.memory_space<vmem>>)
      %dma_wait3A_94 = arith.constant 512 : i32
      %dma_wait3A_95 = arith.constant 0 : i32
      %dma_wait3A_96 = tpu.memref_slice %arg6[%dma_wait3A_94, %dma_wait3A_95] : memref<640x128xf32, #tpu.memory_space<vmem>> -> memref<128x128xf32, #tpu.memory_space<vmem>>
      %dma_wait3A_97 = tpu.memref_slice %arg5[%add3A_59] : memref<10240xi32, #tpu.memory_space<vmem>> -> memref<128xi32, #tpu.memory_space<vmem>>
      %dma_wait3A_98 = arith.constant 0 : i32
      %dma_wait3A_99 = arith.constant 0 : i32
      %dma_wait3A_100 = tpu.memref_slice %arg3[%dma_wait3A_98, %dma_wait3A_99] : memref<507904x128xf32, #tpu.memory_space<hbm>> -> memref<507904x128xf32, #tpu.memory_space<hbm>>
      tpu.wait_indirect_dma semaphore(%arg7 : memref<!tpu.dma_semaphore, #tpu.memory_space<semaphore_mem>>) src(%dma_wait3A_100 : memref<507904x128xf32, #tpu.memory_space<hbm>>) dst(%dma_wait3A_96 : memref<128x128xf32, #tpu.memory_space<vmem>>)
      %mul3A_101 = arith.constant 640 : i32
      %mul3A_102 = arith.muli %scan3A_12, %mul3A_101 : i32
      %add3A_103 = arith.addi %mul3A_2, %mul3A_102 : i32
      "tpu.region"() ({
        %run_scoped3A = tpu.sem_alloc : memref<!tpu.dma_semaphore, #tpu.memory_space<semaphore_mem>>
        %dma_start3A_104 = arith.constant 0 : i32
        %dma_start3A_105 = tpu.memref_slice %arg4[%add3A_103, %dma_start3A_104] : memref<327680x128xf32, #tpu.memory_space<hbm>> -> memref<640x128xf32, #tpu.memory_space<hbm>>
        %dma_start3A_106 = arith.constant 0 : i32
        %dma_start3A_107 = tpu.memref_slice %arg4[%add3A_103, %dma_start3A_106] : memref<327680x128xf32, #tpu.memory_space<hbm>> -> memref<640x128xf32, #tpu.memory_space<hbm>>
        tpu.enqueue_dma source(%arg6 : memref<640x128xf32, #tpu.memory_space<vmem>>) target(%dma_start3A_107 : memref<640x128xf32, #tpu.memory_space<hbm>>) target_semaphore(%run_scoped3A : memref<!tpu.dma_semaphore, #tpu.memory_space<semaphore_mem>>)
        %dma_wait3A_108 = arith.constant 0 : i32
        %dma_wait3A_109 = tpu.memref_slice %arg4[%add3A_103, %dma_wait3A_108] : memref<327680x128xf32, #tpu.memory_space<hbm>> -> memref<640x128xf32, #tpu.memory_space<hbm>>
        %dma_wait3A_110 = arith.constant 0 : i32
        %dma_wait3A_111 = tpu.memref_slice %arg4[%add3A_103, %dma_wait3A_110] : memref<327680x128xf32, #tpu.memory_space<hbm>> -> memref<640x128xf32, #tpu.memory_space<hbm>>
        tpu.wait_dma2 semaphore(%run_scoped3A : memref<!tpu.dma_semaphore, #tpu.memory_space<semaphore_mem>>) src(%arg6 : memref<640x128xf32, #tpu.memory_space<vmem>>) dst(%dma_wait3A_111 : memref<640x128xf32, #tpu.memory_space<hbm>>)
        tpu.yield
      }) : () -> ()
    }
    %scan3A_11 = arith.constant 16 : i32
    return
  }
}

module attributes {stable_mosaic.version = 14 : i64} {
  func.func @_project_body(%arg0: i32, %arg1: memref<25x8192xf32, #tpu.memory_space<vmem>>, %arg2: memref<25x8192xf32, #tpu.memory_space<vmem>>, %arg3: memref<25x64xf32, #tpu.memory_space<vmem>>, %arg4: memref<8192x128xf32, #tpu.memory_space<vmem>>) attributes {dimension_semantics = [#tpu.dimension_semantics<arbitrary>], iteration_bounds = array<i64: 62>, scalar_prefetch = 0 : i64, scratch_operands = 0 : i64, tpu.core_type = #tpu.core_type<tc>, window_params = [{transform_indices = @transform_0, window_bounds = array<i64: 25, 8192>}, {transform_indices = @transform_1, window_bounds = array<i64: 25, 8192>}, {pipeline_mode = #tpu.pipeline_mode<synchronous>, transform_indices = @transform_2, window_bounds = array<i64: 25, 64>}, {transform_indices = @transform_3, window_bounds = array<i64: 8192, 128>}]} {
    %get3A = arith.constant 0 : index
    %get3A_0 = arith.constant 0 : index
    %get3A_1 = vector.load %arg1[%get3A, %get3A_0] : memref<25x8192xf32, #tpu.memory_space<vmem>>, vector<25x8192xf32>
    %get3A_2 = arith.constant 0 : index
    %get3A_3 = arith.constant 0 : index
    %get3A_4 = vector.load %arg3[%get3A_2, %get3A_3] : memref<25x64xf32, #tpu.memory_space<vmem>>, vector<25x64xf32>
    %dot_general3A = arith.constant dense<0.000000e+00> : vector<8192x64xf32>
    %dot_general3A_5 = tpu.matmul %get3A_1, %get3A_4, %dot_general3A {dimension_numbers = #tpu.dot_dimension_numbers<[0], [0], [1], [1], [0, 1, 1, 1], [], []>, transpose_lhs_hint = false} : vector<25x8192xf32>, vector<25x64xf32>, vector<8192x64xf32> -> vector<8192x64xf32>
    %get3A_6 = arith.constant 0 : index
    %get3A_7 = arith.constant 0 : index
    %get3A_8 = vector.load %arg2[%get3A_6, %get3A_7] : memref<25x8192xf32, #tpu.memory_space<vmem>>, vector<25x8192xf32>
    %get3A_9 = arith.constant 0 : index
    %get3A_10 = arith.constant 0 : index
    %get3A_11 = vector.load %arg3[%get3A_9, %get3A_10] : memref<25x64xf32, #tpu.memory_space<vmem>>, vector<25x64xf32>
    %dot_general3A_12 = arith.constant dense<0.000000e+00> : vector<8192x64xf32>
    %dot_general3A_13 = tpu.matmul %get3A_8, %get3A_11, %dot_general3A_12 {dimension_numbers = #tpu.dot_dimension_numbers<[0], [0], [1], [1], [0, 1, 1, 1], [], []>, transpose_lhs_hint = false} : vector<25x8192xf32>, vector<25x64xf32>, vector<8192x64xf32> -> vector<8192x64xf32>
    %concatenate3A = tpu.concatenate %dot_general3A_5, %dot_general3A_13 in 1 : vector<8192x64xf32>, vector<8192x64xf32> -> vector<8192x128xf32>
    %swap3A = arith.constant 0 : index
    %swap3A_14 = arith.constant 0 : index
    %swap3A_15 = vector.load %arg4[%swap3A, %swap3A_14] : memref<8192x128xf32, #tpu.memory_space<vmem>>, vector<8192x128xf32>
    tpu.vector_store %arg4[%swap3A, %swap3A_14], %concatenate3A {strides = array<i32>} : memref<8192x128xf32, #tpu.memory_space<vmem>>, vector<8192x128xf32>,
    return
  }
  func.func @transform_0(%arg0: i32) -> (i32, i32) {
    %mul3A = arith.constant 2 : i32
    %mul3A_0 = arith.muli %mul3A, %arg0 : i32
    %c0_i32 = arith.constant 0 : i32
    %c0_i32_1 = arith.constant 0 : i32
    return %c0_i32, %mul3A_0 : i32, i32
  }
  func.func @transform_1(%arg0: i32) -> (i32, i32) {
    %mul3A = arith.constant 2 : i32
    %mul3A_0 = arith.muli %mul3A, %arg0 : i32
    %add3A = arith.constant 1 : i32
    %add3A_1 = arith.addi %mul3A_0, %add3A : i32
    %min3A = arith.constant 122 : i32
    %min3A_2 = arith.minsi %add3A_1, %min3A : i32
    %c0_i32 = arith.constant 0 : i32
    %c0_i32_3 = arith.constant 0 : i32
    return %c0_i32, %min3A_2 : i32, i32
  }
  func.func @transform_2(%arg0: i32) -> (i32, i32) {
    %c0_i32 = arith.constant 0 : i32
    %c0_i32_0 = arith.constant 0 : i32
    %c0_i32_1 = arith.constant 0 : i32
    return %c0_i32, %c0_i32_0 : i32, i32
  }
  func.func @transform_3(%arg0: i32) -> (i32, i32) {
    %c0_i32 = arith.constant 0 : i32
    %c0_i32_0 = arith.constant 0 : i32
    return %arg0, %c0_i32 : i32, i32
  }
}

</mosaic_0001>

<sc_bundles>
// kernel: kernel.4.cloned.1.call-start
scs
__scs_entry_jumppad:
0x0: {  	(pc) =	sbr.rel $0x88, $3  }
0x1: {  	(tag) =	ssettag $0x0;
	lr =	simm.s32 $0x1  }
0x2: {  	[smem:$0x3F9E] =	sst lr;
	_ =	strace $0xD0000000  }
0x3: {  	_ = 	snop  }
0x4: {  	_ = 	snop  }
0x5: {  	_ = 	snop  }
0x6: {  	_ = 	snop  }
0x7: {  	_ = 	snop  }
__scs_overlays_trampoline_lowered:
0x8: {  	[smem:$0x3FAD] =	sst s0  }
0x9: {  	[smem:$0x3FAE] =	sst s1  }
0xa: {  	[smem:$0x3FAF] =	sst s2  }
0xb: {  	[smem:$0x3FB0] =	sst s3  }
0xc: {  	[smem:$0x3FB1] =	sst s4  }
0xd: {  	[smem:$0x3FB2] =	sst s5  }
0xe: {  	[smem:$0x3FB3] =	sst s6  }
0xf: {  	[smem:$0x3FB4] =	sst s7  }
0x10: {  	[smem:$0x3FB5] =	sst s8  }
0x11: {  	[smem:$0x3FB6] =	sst s9;
	s0 =	simm.s32 @!p0 $0x0  }
0x12: {  	s1 =	sld [smem:$0x3F9C];
	s0 =	simm.s32 @p0 $0x1  }
0x13: {  	[smem:$0x3FB7] =	sst s0;
	s0 =	simm.s32 @!p1 $0x0  }
0x14: {  	s2 =	sld [smem:$0x3F9B];
	s0 =	simm.s32 @p1 $0x1  }
0x15: {  	[smem:$0x3FB8] =	sst s0;
	s0 =	simm.s32 @!p2 $0x0  }
0x16: {  	s3 =	sld [smem:$0x3FDB];
	s0 =	simm.s32 @p2 $0x1  }
0x17: {  	s4 =	simm.s32 $0x1BF5;
	[smem:$0x3FBA] =	sst s0  }
0x18: {  	s0 =	sld [smem:$0x3F9D];
	_ =	swait.ge [sflag:s4], $0x0  }
0x19: {  	s7 =	sld [smem:$0x3F9E]  }
0x1a: {  	s8 =	sadd.s32 $0xFFFFE003, lr  }
0x1b: {  	s9 =	sadd.s32 $0xFFFFFEF7, lr;
	s5 =	simm.s32 $0xFFFFFFFF;
	p2 =	slt.u32 s8, $0xFFFFF086  }
0x1c: {  	p1 =	slt.u32 s9, $0xF7A;
	s5 =	simm.s32 @!p2 $0x0  }
0x1d: {  	s5 =	simm.s32 @p1 $0x1;
	p0 =	seq.s32 s7, s2  }
0x1e: {  	s7 =	smul.u32 @!p0 $0xF7A, s2;
	p2 =	seq.s32 @!p0 s5, $0x0  }
0x1f: {  	s9 =	smul.u32 $0xF7A, s1;
	s8 =	simm.s32 @!p0 $0x1BF5;
	p2 =	por !p2, p0  }
0x20: {  	[sflag:s8] =	ssyncset.s32 @!p0 $0xFFFFF086;
	s6 =	sadd.s32 @!p0 s3, s7;
	s7 =	simm.s32 @!p0 $0x108  }
0x21: {  	s3 =	sadd.s32 s3, s9;
	s6 =	sadd.s32 @!p0 $0x88, s6;
	s7 =	simm.s32 @p2 $0x1082  }
0x22: {  	[simem:s7], [sflag:s8] =	dma.local @!p0 [hbm:s6], $0xF7A  }
0x23: {  	s9 =	sor.u32 $0xD0000000, s2;
	s6 =	simm.s32 $0x108;
	_ =	swait.ge @!p0 [sflag:s8], $0x0  }
0x24: {  	s3 =	sadd.s32 $0x88, s3;
	s6 =	simm.s32 @!p1 $0x1082;
	[sflag:s4] =	ssyncset.s32 $0xFFFFF086  }
0x25: {  	[simem:s6], [sflag:s4] =	dma.local [hbm:s3], $0xF7A  }
0x26: {  	[smem:$0x3F9E] =	sst s1;
	(tag) =	ssettag s2;
	_ =	strace s9  }
0x27: {  	s1 =	sld [smem:$0x3FAE]  }
0x28: {  	s2 =	sld [smem:$0x3FAF]  }
0x29: {  	s4 =	sld [smem:$0x3FB1]  }
0x2a: {  	p0 =	seq.s32 s5, $0x0;
	s5 =	sld [smem:$0x3FB2]  }
0x2b: {  	s6 =	sld [smem:$0x3FB3]  }
0x2c: {  	s7 =	sld [smem:$0x3FB4]  }
0x2d: {  	s3 =	simm.s32 $0x108;
	s8 =	sld [smem:$0x3FB5]  }
0x2e: {  	s3 =	simm.s32 @!p0 $0x1082;
	s9 =	sld [smem:$0x3FB6]  }
0x2f: {  	lr =	sadd.s32 s0, s3;
	s0 =	sld [smem:$0x3FAD]  }
0x30: {  	s3 =	sld [smem:$0x3FB0]  }
0x31: {  	[smem:$0x3FB9] =	sst s10  }
0x32: {  	s10 =	sld [smem:$0x3FB7];
	_ =	sdelay $0x3  }
0x33: {  	p0 =	seq.s32 s10, $0x1;
	s10 =	sld [smem:$0x3FB9];
	_ =	sdelay $0x3  }
0x34: {  	[smem:$0x3FB9] =	sst s10  }
0x35: {  	s10 =	sld [smem:$0x3FB8];
	_ =	sdelay $0x3  }
0x36: {  	p1 =	seq.s32 s10, $0x1;
	s10 =	sld [smem:$0x3FB9];
	_ =	sdelay $0x3  }
0x37: {  	[smem:$0x3FB9] =	sst s10  }
0x38: {  	s10 =	sld [smem:$0x3FBA]  }
0x39: {  	_ = 	snop;
	(pc) =	sbr.ind lr, $3  }
0x3a: {  	_ = 	snop  }
0x3b: {  	_ = 	snop  }
0x3c: {  	p2 =	seq.s32 s10, $0x1;
	s10 =	sld [smem:$0x3FB9]  }
0x3d: {  	_ =	shalt  }
0x3e: {  	_ =	shalt  }
0x3f: {  	_ =	shalt  }
0x40: {  	_ =	shalt  }
0x41: {  	_ =	shalt  }
0x42: {  	_ =	shalt  }
0x43: {  	_ =	shalt  }
0x44: {  	_ =	shalt  }
0x45: {  	_ =	shalt  }
0x46: {  	_ =	shalt  }
0x47: {  	_ =	shalt  }
0x48: {  	_ =	shalt  }
0x49: {  	_ =	shalt  }
0x4a: {  	_ =	shalt  }
0x4b: {  	_ =	shalt  }
0x4c: {  	_ =	shalt  }
0x4d: {  	_ =	shalt  }
0x4e: {  	_ =	shalt  }
0x4f: {  	_ =	shalt  }
0x50: {  	_ =	shalt  }
0x51: {  	_ =	shalt  }
0x52: {  	_ =	shalt  }
0x53: {  	_ =	shalt  }
0x54: {  	_ =	shalt  }
0x55: {  	_ =	shalt  }
0x56: {  	_ =	shalt  }
0x57: {  	_ =	shalt  }
0x58: {  	_ =	shalt  }
0x59: {  	_ =	shalt  }
0x5a: {  	_ =	shalt  }
0x5b: {  	_ =	shalt  }
0x5c: {  	_ =	shalt  }
0x5d: {  	_ =	shalt  }
0x5e: {  	_ =	shalt  }
0x5f: {  	_ =	shalt  }
0x60: {  	_ =	shalt  }
0x61: {  	_ =	shalt  }
0x62: {  	_ =	shalt  }
0x63: {  	_ =	shalt  }
0x64: {  	_ =	shalt  }
0x65: {  	_ =	shalt  }
0x66: {  	_ =	shalt  }
0x67: {  	_ =	shalt  }
0x68: {  	_ =	shalt  }
0x69: {  	_ =	shalt  }
0x6a: {  	_ =	shalt  }
0x6b: {  	_ =	shalt  }
0x6c: {  	_ =	shalt  }
0x6d: {  	_ =	shalt  }
0x6e: {  	_ =	shalt  }
0x6f: {  	_ =	shalt  }
0x70: {  	_ =	shalt  }
0x71: {  	_ =	shalt  }
0x72: {  	_ =	shalt  }
0x73: {  	_ =	shalt  }
0x74: {  	_ =	shalt  }
0x75: {  	_ =	shalt  }
0x76: {  	_ =	shalt  }
0x77: {  	_ =	shalt  }
0x78: {  	_ =	shalt  }
0x79: {  	_ =	shalt  }
0x7a: {  	_ =	shalt  }
0x7b: {  	_ =	shalt  }
0x7c: {  	_ =	shalt  }
0x7d: {  	_ =	shalt  }
0x7e: {  	_ =	shalt  }
0x7f: {  	_ =	shalt  }
0x80: {  	_ =	shalt  }
0x81: {  	_ =	shalt  }
0x82: {  	_ =	shalt  }
0x83: {  	_ =	shalt  }
0x84: {  	_ =	shalt  }
0x85: {  	_ =	shalt  }
0x86: {  	_ =	shalt  }
0x87: {  	_ =	shalt  }
.Lfunc_end0:
.L_simem_size_0:
called_computation.1_lowered:
.L_overlay_start_0:
0x88: {  	s2 =	sld [smem:$0x3FD9]  }
0x89: {  	s3 =	sld [smem:$0x3FFE];
	_ =	sdelay $0x1  }
0x8a: {  	s1 =	srdreg.scid  }
0x8b: {  	s0 =	sand.u32 $0x1, s1  }
0x8c: {  	s17 =	sshll.u32 s0, $0xA;
	s2 =	sadd.s32 s3, s2  }
0x8d: {  	s2 =	sadd.s32 s2, s17  }
0x8e: {  	[smem:$0x3FC5] =	sst s2  }
0x8f: {  	_ = 	snop  }
0x90: {  	s2 =	sld [smem:$0x3FD0];
	(tm) =	ssettm $0x1  }
0x91: {  	s18 =	sld [smem:$0x3FFB];
	_ =	sdelay $0x3  }
0x92: {  	_ =	strace s18  }
0x93: {  	s3 =	sld [smem:$0x3FFC];
	_ =	sdelay $0x3  }
0x94: {  	_ =	strace s3  }
0x95: {  	s3 =	sld [smem:$0x3FFD];
	_ =	sdelay $0x3  }
0x96: {  	_ =	strace s3  }
0x97: {  	_ =	strace $0x8FFFFFFF  }
0x98: {  	s19 =	sld [smem:$0x3FDB];
	_ =	sdelay $0x1  }
0x99: {  	s4 =	simm.s32 $_scs_section_size  }
0x9a: {  	s5 =	simm.s32 $_size__tile_overlayer_lowered;
	s6 =	simm.s32 $_tile_overlayer_lowered  }
0x9b: {  	s22 =	simm.s32 $0x1BFF;
	s21 =	sshll.u32 s6, $0x1;
	s3 =	sadd.s32 s4, s19  }
0x9c: {  	s7 =	simm.s32 $0x0;
	s20 =	sshll.u32 s5, $0x1;
	s5 =	sadd.s32 s21, s3  }
0x9d: {  	[timem:s7], [sflag:s22] =	dma.local [hbm:s5], s20  }
0x9e: {  	_ =	swait.ge [sflag:s22], s20  }
0x9f: {  	s4 =	ssub.s32 $0x0, s20;
	[sflag:s22] =	ssyncset.done $0x0  }
0xa0: {  	[sflag:s22] =	ssyncadd.s32 s4;
	_ =	sdelay $0x1  }
0xa1: {  	s23 =	simm.s32 $0x1B8B  }
0xa2: {  	_ =	swait.ge [sflag:s23], $0x1  }
0xa3: {  	[sflag:s23] =	ssyncset.done $0x0  }
0xa4: {  	s25 =	simm.s32 $0x1B8E;
	s24 =	sld [smem:$0x3FFE];
	[sflag:s23] =	ssyncadd.s32 $0xFFFFFFFF  }
0xa5: {  	s26 =	simm.s32 $execute0_lowered;
	[smem:$0x3FD2] =	sst s25  }
0xa6: {  	s5 =	sshll.u32 s26, $0x1;
	_ =	strace $0x80000046;
	[dreg:$0x1] =	wrdreg $0xFFFFFFFF  }
0xa7: {  	s28 =	simm.s32 $_size_execute0_lowered;
	s3 =	sadd.s32 s3, s5;
	[dreg:$0x0] =	wrdreg $0x0  }
0xa8: {  	s5 =	sshll.u32 s28, $0x1;
	[dreg:$0x2] =	wrdreg s3  }
0xa9: {  	[dreg:$0x3] =	wrdreg s5  }
0xaa: {  	[dreg:$0x4] =	wrdreg $0xC0  }
0xab: {  	_ =	task [dreg:s7], $0x5FFFF  }
0xac: {  	[dreg:$0x1] =	wrdreg $0xFFFFFFFF  }
0xad: {  	[dreg:$0x0] =	wrdreg $0x60  }
0xae: {  	[dreg:$0x2] =	wrdreg s2  }
0xaf: {  	[dreg:$0x3] =	wrdreg s24  }
0xb0: {  	[dreg:$0x4] =	wrdreg $0x9  }
0xb1: {  	_ =	task.clear_ibuf [dreg:s7], $0x5FFFF;
	_ =	strace $0x90000046  }
0xb2: {  	s29 =	simm.s32 $0x9;
	_ =	strace $0x80000048  }
0xb3: {  	_ =	swait.ge [sflag:s29], $0x1  }
0xb4: {  	[sflag:s29] =	ssyncadd.s32 $0xFFFFFFFF  }
0xb5: {  	_ =	strace $0x90000048  }
0xb6: {  	_ =	sfence  }
0xb7: {  	s30 =	sld [smem:$0x0];
	_ =	sdelay $0x2  }
0xb8: {  	s31 =	sshll.u32 s1, $0xD;
	s1 =	sshrl.u32 s1, $0x2  }
0xb9: {  	s3 =	sand.u32 $0x4000, s31;
	s1 =	sadd.s32 s1, s30  }
0xba: {  	s0 =	sor.u32 s3, s0;
	s1 =	sshll.u32 s1, $0x11  }
0xbb: {  	s0 =	sor.u32 s1, s0  }
0xbc: {  	s0 =	sadd.s32 $0x8F2B, s0  }
0xbd: {  	[sflag:s0] =	ssyncadd.remote.s32 $0x1  }
0xbe: {  	_ =	sfence.sel $0xFFFF  }
0xbf: {  	[dreg:$0x0] =	wrdreg $0xFFFFFFFF;
	(pc) =	sbr.abs _section_cstart, $3  }
0xc0: {  	[dreg:$0x1] =	wrdreg $0xFFFFFFFF  }
0xc1: {  	_ =	task.clear_ibuf [dreg:s7], $0x2FFFF;
	_ =	strace $0x9FFFFFFF  }
0xc2: {  	(tm) =	ssettm $0x7FFFFFFF  }
0xc3: {  	_ =	shalt  }
tec
execute0_lowered:
.L_overlay_start_1:
0x0: {  	(tag) =	ssettag $0x1  }
0x1: {  	s4 =	rddreg [dreg:$0x0]  }
0x2: {  	s5 =	rddreg [dreg:$0x1];
	s1 =	stileid.u32  }
0x3: {  	s2 =	srdreg.scid;
	s0 =	rddreg [dreg:$0x2];
	s10 =	simm.s32 $0x6800  }
0x4: {  	s11 =	simm.s32 $0xA800;
	s12 =	simm.s32 $0xE800;
	s13 =	simm.s32 $0x12800  }
0x5: {  	s14 =	simm.s32 $0x1;
	s15 =	simm.s32 $0x0;
	s3 =	sand.u32 $0x1, s2  }
0x6: {  	s6 =	sshll.u32 s1, $0x1;
	s2 =	simm.s32 $0x0;
	s7 =	smul.u32 $0x50000, s1  }
0x7: {  	s6 =	sor.u32 s3, s6;
	[smem:$0x7FF] =	sst s2;
	s9 =	smul.u32 $0x28000, s3  }
0x8: {  	s8 =	ssub.s32 $0x2, s3;
	s3 =	sadd.s32 $0xC00, s5;
	s6 =	smul.u32 $0x2800, s6  }
0x9: {  	_ =	strace $0x80000047;
	s5 =	sadd.s32 s7, s5;
	s30 =	sshrl.u32 s8, $0x1  }
0xa: {  	s7 =	ssub.s32 s8, s30;
	s31 =	sadd.s32 s9, s5;
	s8 =	simm.s32 $0x80  }
0xb: {  	s9 =	simm.s32 $0x2800;
	s6 =	sshrl.u32 s6, $0x3;
	s5 =	smax.u32 s7, $0x1  }
0xc: {  	s7 =	simm.s32 $0x2;
	s4 =	sadd.s32 s4, s6;
	s6 =	sadd.s32 $0x7C0C00, s31  }
.LBB2_1:
0xd: {  	[tilespmem:s2], [sflag:$0x2] =	stream.linear.gather [hbm4b:s4+s2], $0x2800, $0x38;
	[tilespmem:$0x16800] =	vst v63  }
0xe: {  	_ =	swait.ge [sflag:s7], $0x2800  }
0xf: {  	[sflag:s7] =	ssyncset.done $0x0  }
0x10: {  	s16 =	simm.s32 $0x40;
	[sflag:s7] =	ssyncadd.s32 $0xFFFFD800  }
0x11: {  	v0 =	vld [tilespmem:s16+$0xFFFFFFC0]  }
0x12: {  	v2 =	vld [tilespmem:s16+$0xFFFFFFD0]  }
0x13: {  	v3 =	vld [tilespmem:s16+$0xFFFFFFE0];
	_ =	sdelay $0x2  }
0x14: {  	v6 =	vld [tilespmem:s16+$0x0]  }
0x15: {  	v1 =	vld [tilespmem:s16+$0x10];
	v4 =	vshrl.u32 v0, $0x1;
	v5 =	vand.u32 $0x1FFF, v0  }
0x16: {  	v7 =	vshrl.u32 v2, $0x1;
	v2 =	vand.u32 $0x1FFF, v2;
	v8 =	vshrl.u32 v3, $0x1  }
0x17: {  	v9 =	vand.u32 $0x1FFF, v3;
	v3 =	vld [tilespmem:s16+$0x20];
	v4 =	vand.u32 $0x7FFFE000, v4;
	v7 =	vand.u32 $0x7FFFE000, v7  }
0x18: {  	v8 =	vand.u32 $0x7FFFE000, v8;
	v10 =	vor.u32 v5, v4;
	v5 =	vor.u32 v2, v7;
	v2 =	vld [tilespmem:s16+$0x30]  }
0x19: {  	v4 =	vor.u32 v9, v8  }
0x1a: {  	s17 =	simm.s32 $0x0;
	s18 =	simm.s32 $0xC0;
	v0 =	vld [tilespmem:s16+$0xFFFFFFF0];
	v7 =	vshrl.u32 v6, $0x1;
	v6 =	vand.u32 $0x1FFF, v6;
	v8 =	vshrl.u32 v1, $0x1;
	[tilespmem:s16+$0xFFFFFFC0] =	vst v10  }
.LBB2_2:
0x1b: {  	v9 =	vld [tilespmem:s18+$0xFFFFFFC0];
	[tilespmem:s16+$0xFFFFFFD0] =	vst v5;
	v5 =	vand.u32 $0x7FFFE000, v7;
	v7 =	vand.u32 $0x7FFFE000, v8;
	v1 =	vand.u32 $0x1FFF, v1  }
0x1c: {  	v8 =	vld [tilespmem:s18+$0xFFFFFFD0];
	[tilespmem:s16+$0xFFFFFFE0] =	vst v4;
	v4 =	vor.u32 v6, v5;
	v1 =	vor.u32 v1, v7;
	v5 =	vshrl.u32 v3, $0x1  }
0x1d: {  	v3 =	vand.u32 $0x1FFF, v3;
	v6 =	vld [tilespmem:s18+$0xFFFFFFE0];
	[tilespmem:s16+$0x0] =	vst v4;
	v4 =	vand.u32 $0x7FFFE000, v5;
	v5 =	vshrl.u32 v2, $0x1  }
0x1e: {  	v2 =	vand.u32 $0x1FFF, v2;
	v7 =	vld [tilespmem:s18+$0xFFFFFFF0];
	[tilespmem:s16+$0x10] =	vst v1;
	v1 =	vor.u32 v3, v4;
	v3 =	vand.u32 $0x7FFFE000, v5  }
0x1f: {  	s17 =	sadd.s32 $0x8, s17;
	v4 =	vshrl.u32 v0, $0x1;
	v0 =	vand.u32 $0x1FFF, v0;
	v10 =	vld [tilespmem:s18+$0x0];
	[tilespmem:s16+$0x20] =	vst v1;
	v2 =	vor.u32 v2, v3  }
0x20: {  	p0 =	slt.u32 s17, $0x278;
	v4 =	vand.u32 $0x7FFFE000, v4;
	v3 =	vshrl.u32 v9, $0x1;
	v1 =	vld [tilespmem:s18+$0x10];
	[tilespmem:s16+$0x30] =	vst v2  }
.Ltmp0:
0x21: {  	v9 =	vand.u32 $0x1FFF, v9;
	v12 =	vor.u32 v0, v4;
	v5 =	vand.u32 $0x7FFFE000, v3;
	(pc) =	sbr.rel @p0 .LBB2_2-.Ltmp0, $4  }
0x22: {  	v2 =	vshrl.u32 v8, $0x1;
	v4 =	vand.u32 $0x1FFF, v8;
	v8 =	vshrl.u32 v6, $0x1;
	v3 =	vld [tilespmem:s18+$0x20];
	[tilespmem:s16+$0xFFFFFFF0] =	vst v12;
	s16 =	smov.u32 s18  }
0x23: {  	v11 =	vand.u32 $0x7FFFE000, v2;
	v6 =	vand.u32 $0x1FFF, v6;
	v8 =	vand.u32 $0x7FFFE000, v8;
	v2 =	vld [tilespmem:s18+$0x30];
	v0 =	vmovc v7  }
0x24: {  	v7 =	vor.u32 v9, v5;
	v5 =	vor.u32 v4, v11;
	v4 =	vor.u32 v6, v8  }
0x25: {  	s18 =	sadd.s32 $0x80, s18;
	v6 =	vand.u32 $0x1FFF, v10;
	[tilespmem:s16+$0xFFFFFFC0] =	vst v7;
	v7 =	vshrl.u32 v10, $0x1;
	v8 =	vshrl.u32 v1, $0x1  }
0x26: {  	v7 =	vand.u32 $0x7FFFE000, v7  }
0x27: {  	[tilespmem:s16+$0xFFFFFFD0] =	vst v5;
	v53 =	vand.u32 $0x7FFFE000, v8;
	v1 =	vand.u32 $0x1FFF, v1;
	v61 =	vshrl.u32 v0, $0x1  }
0x28: {  	[tilespmem:s16+$0xFFFFFFE0] =	vst v4;
	v62 =	vand.u32 $0x1FFF, v0;
	v54 =	vshrl.u32 v3, $0x1;
	v55 =	vor.u32 v6, v7  }
0x29: {  	v57 =	vand.u32 $0x1FFF, v3;
	v1 =	vor.u32 v1, v53;
	v63 =	vand.u32 $0x7FFFE000, v61;
	[tilespmem:s16+$0x0] =	vst v55  }
0x2a: {  	v56 =	vand.u32 $0x7FFFE000, v54;
	v58 =	vshrl.u32 v2, $0x1;
	[tilespmem:s16+$0x10] =	vst v1;
	v0 =	vor.u32 v62, v63  }
0x2b: {  	v60 =	vand.u32 $0x1FFF, v2;
	v3 =	vor.u32 v57, v56;
	v59 =	vand.u32 $0x7FFFE000, v58;
	[tilespmem:s16+$0xFFFFFFF0] =	vst v0  }
0x2c: {  	[tilespmem:s16+$0x20] =	vst v3;
	v1 =	vor.u32 v60, v59  }
0x2d: {  	s26 =	simm.s32 $0x0;
	[tilespmem:s16+$0x30] =	vst v1  }
0x2e: {  	[tilespmem:s9], [sflag:$0x1] =	stream.indirect.gather [hbm4b:s3+s8], $0x80, s26, s8, $0xb8;
	[tilespmem:$0x16800] =	vst v63  }
0x2f: {  	s28 =	simm.s32 $0x80  }
0x30: {  	[tilespmem:s10], [sflag:$0x1] =	stream.indirect.gather [hbm4b:s3+s8], $0x80, s28, s8, $0xb8;
	[tilespmem:$0x16800] =	vst v63  }
0x31: {  	s29 =	simm.s32 $0x100  }
0x32: {  	[tilespmem:s11], [sflag:$0x1] =	stream.indirect.gather [hbm4b:s3+s8], $0x80, s29, s8, $0xb8;
	[tilespmem:$0x16800] =	vst v63  }
0x33: {  	s30 =	simm.s32 $0x180  }
0x34: {  	[tilespmem:s12], [sflag:$0x1] =	stream.indirect.gather [hbm4b:s3+s8], $0x80, s30, s8, $0xb8;
	[tilespmem:$0x16800] =	vst v63  }
0x35: {  	s31 =	simm.s32 $0x200  }
0x36: {  	[tilespmem:s13], [sflag:$0x1] =	stream.indirect.gather [hbm4b:s3+s8], $0x80, s31, s8, $0xb8;
	[tilespmem:$0x16800] =	vst v63  }
0x37: {  	_ =	swait.ge [sflag:s14], $0x4000  }
0x38: {  	[sflag:s14] =	ssyncset.done $0x0  }
0x39: {  	[sflag:s14] =	ssyncadd.s32 $0xFFFFC000  }
0x3a: {  	_ =	swait.ge [sflag:s14], $0x4000  }
0x3b: {  	[sflag:s14] =	ssyncset.done $0x0  }
0x3c: {  	[sflag:s14] =	ssyncadd.s32 $0xFFFFC000  }
0x3d: {  	_ =	swait.ge [sflag:s14], $0x4000  }
0x3e: {  	[sflag:s14] =	ssyncset.done $0x0  }
0x3f: {  	[sflag:s14] =	ssyncadd.s32 $0xFFFFC000  }
0x40: {  	_ =	swait.ge [sflag:s14], $0x4000  }
0x41: {  	[sflag:s14] =	ssyncset.done $0x0  }
0x42: {  	[sflag:s14] =	ssyncadd.s32 $0xFFFFC000  }
0x43: {  	_ =	swait.ge [sflag:s14], $0x4000  }
0x44: {  	[sflag:s14] =	ssyncset.done $0x0  }
0x45: {  	[sflag:s14] =	ssyncadd.s32 $0xFFFFC000  }
0x46: {  	[hbm4b:s6+s2] =	stream.linear.scatter [tilespmem:s9], [sflag:$0x2], $0x14000, $0x38;
	[tilespmem:$0x16800] =	vst v63  }
0x47: {  	s17 =	simm.s32 $0xA00;
	_ =	swait.ge [sflag:s7], $0x14000  }
0x48: {  	s18 =	simm.s32 $0x1400;
	s16 =	sadd.s32 $0x2800, s6;
	[sflag:s7] =	ssyncset.done $0x0  }
.LBB2_4:
0x49: {  	s19 =	sshra.s32 s17, $0x2  }
0x4a: {  	[sflag:s7] =	ssyncadd.s32 $0xFFFEC000;
	s17 =	smov.u32 s18;
	s20 =	sadd.s32 $0xA00, s18  }
0x4b: {  	[tilespmem:s9], [sflag:$0x1] =	stream.indirect.gather [hbm4b:s3+s8], $0x80, s19, s8, $0xb8;
	[tilespmem:$0x16800] =	vst v63  }
0x4c: {  	p0 =	sne.s32 s18, $0x9600;
	s18 =	sadd.s32 $0x80, s19  }
0x4d: {  	[tilespmem:s10], [sflag:$0x1] =	stream.indirect.gather [hbm4b:s3+s8], $0x80, s18, s8, $0xb8;
	[tilespmem:$0x16800] =	vst v63  }
0x4e: {  	s18 =	sadd.s32 $0x100, s19  }
0x4f: {  	[tilespmem:s11], [sflag:$0x1] =	stream.indirect.gather [hbm4b:s3+s8], $0x80, s18, s8, $0xb8;
	[tilespmem:$0x16800] =	vst v63  }
0x50: {  	s18 =	sadd.s32 $0x180, s19  }
0x51: {  	[tilespmem:s12], [sflag:$0x1] =	stream.indirect.gather [hbm4b:s3+s8], $0x80, s18, s8, $0xb8;
	[tilespmem:$0x16800] =	vst v63  }
0x52: {  	s18 =	sadd.s32 $0x200, s19  }
0x53: {  	[tilespmem:s13], [sflag:$0x1] =	stream.indirect.gather [hbm4b:s3+s8], $0x80, s18, s8, $0xb8;
	[tilespmem:$0x16800] =	vst v63  }
0x54: {  	_ =	swait.ge [sflag:s14], $0x4000  }
0x55: {  	[sflag:s14] =	ssyncset.done $0x0  }
0x56: {  	[sflag:s14] =	ssyncadd.s32 $0xFFFFC000  }
0x57: {  	_ =	swait.ge [sflag:s14], $0x4000  }
0x58: {  	[sflag:s14] =	ssyncset.done $0x0  }
0x59: {  	[sflag:s14] =	ssyncadd.s32 $0xFFFFC000  }
0x5a: {  	_ =	swait.ge [sflag:s14], $0x4000  }
0x5b: {  	[sflag:s14] =	ssyncset.done $0x0  }
0x5c: {  	[sflag:s14] =	ssyncadd.s32 $0xFFFFC000  }
0x5d: {  	_ =	swait.ge [sflag:s14], $0x4000  }
0x5e: {  	[sflag:s14] =	ssyncset.done $0x0  }
0x5f: {  	[sflag:s14] =	ssyncadd.s32 $0xFFFFC000  }
0x60: {  	_ =	swait.ge [sflag:s14], $0x4000  }
.Ltmp1:
0x61: {  	[sflag:s14] =	ssyncset.done $0x0;
	(pc) =	sbr.rel @p0 .LBB2_4-.Ltmp1, $4  }
0x62: {  	[sflag:s14] =	ssyncadd.s32 $0xFFFFC000  }
0x63: {  	[hbm4b:s16+s2] =	stream.linear.scatter [tilespmem:s9], [sflag:$0x2], $0x14000, $0x38;
	[tilespmem:$0x16800] =	vst v63  }
0x64: {  	_ =	swait.ge [sflag:s7], $0x14000  }
0x65: {  	s18 =	smov.u32 s20;
	s16 =	sadd.s32 $0x2800, s16;
	[sflag:s7] =	ssyncset.done $0x0  }
0x66: {  	s17 =	sshra.s32 s17, $0x2;
	[sflag:s7] =	ssyncadd.s32 $0xFFFEC000  }
0x67: {  	[tilespmem:s9], [sflag:$0x1] =	stream.indirect.gather [hbm4b:s3+s8], $0x80, s17, s8, $0xb8;
	[tilespmem:$0x16800] =	vst v63  }
0x68: {  	s18 =	sadd.s32 $0x80, s17  }
0x69: {  	[tilespmem:s10], [sflag:$0x1] =	stream.indirect.gather [hbm4b:s3+s8], $0x80, s18, s8, $0xb8;
	[tilespmem:$0x16800] =	vst v63  }
0x6a: {  	s30 =	sadd.s32 $0x100, s17  }
0x6b: {  	[tilespmem:s11], [sflag:$0x1] =	stream.indirect.gather [hbm4b:s3+s8], $0x80, s30, s8, $0xb8;
	[tilespmem:$0x16800] =	vst v63  }
0x6c: {  	s31 =	sadd.s32 $0x180, s17  }
0x6d: {  	[tilespmem:s12], [sflag:$0x1] =	stream.indirect.gather [hbm4b:s3+s8], $0x80, s31, s8, $0xb8;
	[tilespmem:$0x16800] =	vst v63  }
0x6e: {  	s17 =	sadd.s32 $0x200, s17  }
0x6f: {  	[tilespmem:s13], [sflag:$0x1] =	stream.indirect.gather [hbm4b:s3+s8], $0x80, s17, s8, $0xb8;
	[tilespmem:$0x16800] =	vst v63  }
0x70: {  	_ =	swait.ge [sflag:s14], $0x4000  }
0x71: {  	[sflag:s14] =	ssyncset.done $0x0  }
0x72: {  	[sflag:s14] =	ssyncadd.s32 $0xFFFFC000  }
0x73: {  	_ =	swait.ge [sflag:s14], $0x4000  }
0x74: {  	[sflag:s14] =	ssyncset.done $0x0  }
0x75: {  	[sflag:s14] =	ssyncadd.s32 $0xFFFFC000  }
0x76: {  	_ =	swait.ge [sflag:s14], $0x4000  }
0x77: {  	[sflag:s14] =	ssyncset.done $0x0  }
0x78: {  	[sflag:s14] =	ssyncadd.s32 $0xFFFFC000  }
0x79: {  	_ =	swait.ge [sflag:s14], $0x4000  }
0x7a: {  	[sflag:s14] =	ssyncset.done $0x0  }
0x7b: {  	[sflag:s14] =	ssyncadd.s32 $0xFFFFC000  }
0x7c: {  	s15 =	sadd.s32 $0x1, s15;
	_ =	swait.ge [sflag:s14], $0x4000  }
0x7d: {  	p0 =	sne.s32 s15, s5;
	[sflag:s14] =	ssyncset.done $0x0  }
.Ltmp2:
0x7e: {  	[sflag:s14] =	ssyncadd.s32 $0xFFFFC000;
	(pc) =	sbr.rel @p0 .LBB2_1-.Ltmp2, $4  }
0x7f: {  	[hbm4b:s16+s2] =	stream.linear.scatter [tilespmem:s9], [sflag:$0x2], $0x14000, $0x38;
	[tilespmem:$0x16800] =	vst v63  }
0x80: {  	_ =	swait.ge [sflag:s7], $0x14000  }
0x81: {  	[sflag:s7] =	ssyncset.done $0x0  }
0x82: {  	[sflag:s7] =	ssyncadd.s32 $0xFFFEC000  }
0x83: {  	_ =	sfence.sel $0x180000  }
0x84: {  	[bflag:$0x0] =	sbarrier.arrive $0xFFFF  }
0x85: {  	p0 =	sne.s32 s1, $0x0;
	_ =	strace $0x90000047  }
0x86: {  	s0 =	sadd.s32 @!p0 $0x100000, s0;
	[bflag:$0x2] =	sbarrier.arrive $0xFFFF  }
0x87: {  	[sflag:s0] =	ssyncadd.tile.s32 @!p0 $0x1;
	_ =	shalt  }
.Lfunc_end2:
_tile_overlayer_lowered:
.L_overlay_start_2:
0x88: {  	(tag) =	ssettag $0x2  }
0x89: {  	s0 =	rddreg [dreg:$0x0];
	s2 =	stileid.u32  }
0x8a: {  	s1 =	rddreg [dreg:$0x1];
	p0 =	sne.s32 s2, $0x0  }
0x8b: {  	s3 =	rddreg [dreg:$0x2];
	[bflag:$0x3] =	sbarrier.arrive $0xFFFF;
	s2 =	simm.s32 @!p0 $0x1C02  }
0x8c: {  	[timem:s3], [sflag:s2] =	dma.local @!p0 [hbm:s0], s1  }
0x8d: {  	s0 =	simm.s32 @!p0 $0x2  }
0x8e: {  	_ =	swait.ge @!p0 [sflag:s0], s1  }
0x8f: {  	s1 =	ssub.s32 @!p0 $0x0, s1;
	[sflag:s0] =	ssyncset.done @!p0 $0x0  }
0x90: {  	[sflag:s0] =	ssyncadd.s32 @!p0 s1  }
0x91: {  	[bflag:$0x3] =	sbarrier.arrive $0xFFFF  }
0x92: {  	_ =	shalt  }

// kernel: sparse-core-data-format-call.cloned.1.call-start
scs
called_computation_lowered:
.L_overlay_start_0:
0x0: {  	s2 =	sld [smem:$0x3FD9]  }
0x1: {  	s3 =	sld [smem:$0x3FFE];
	_ =	sdelay $0x1  }
0x2: {  	s1 =	srdreg.scid  }
0x3: {  	s0 =	sand.u32 $0x1, s1  }
0x4: {  	s18 =	sshll.u32 s0, $0xA;
	s2 =	sadd.s32 s3, s2  }
0x5: {  	s2 =	sadd.s32 s2, s18  }
0x6: {  	[smem:$0x3FC5] =	sst s2  }
0x7: {  	_ = 	snop  }
0x8: {  	s2 =	sld [smem:$0x3FD0];
	(tm) =	ssettm $0x1  }
0x9: {  	s19 =	sld [smem:$0x3FFB];
	_ =	sdelay $0x3  }
0xa: {  	_ =	strace s19  }
0xb: {  	s3 =	sld [smem:$0x3FFC];
	_ =	sdelay $0x3  }
0xc: {  	_ =	strace s3  }
0xd: {  	s3 =	sld [smem:$0x3FFD];
	_ =	sdelay $0x3  }
0xe: {  	_ =	strace s3  }
0xf: {  	_ =	strace $0x8FFFFFFF  }
0x10: {  	s20 =	sld [smem:$0x3FDB];
	_ =	sdelay $0x1  }
0x11: {  	s4 =	simm.s32 $_scs_section_size  }
0x12: {  	s5 =	simm.s32 $_size__tile_overlayer_lowered;
	s6 =	simm.s32 $_tile_overlayer_lowered  }
0x13: {  	s23 =	simm.s32 $0x1BFF;
	s22 =	sshll.u32 s6, $0x1;
	s3 =	sadd.s32 s4, s20  }
0x14: {  	s7 =	simm.s32 $0x0;
	s21 =	sshll.u32 s5, $0x1;
	s5 =	sadd.s32 s22, s3  }
0x15: {  	[timem:s7], [sflag:s23] =	dma.local [hbm:s5], s21  }
0x16: {  	_ =	swait.ge [sflag:s23], s21  }
0x17: {  	s4 =	ssub.s32 $0x0, s21;
	[sflag:s23] =	ssyncset.done $0x0  }
0x18: {  	[sflag:s23] =	ssyncadd.s32 s4;
	_ =	sdelay $0x1  }
0x19: {  	s24 =	simm.s32 $0x1B8B  }
0x1a: {  	_ =	swait.ge [sflag:s24], $0x1  }
0x1b: {  	[sflag:s24] =	ssyncset.done $0x0  }
0x1c: {  	s26 =	simm.s32 $0x1B8E;
	s25 =	sld [smem:$0x3FFE];
	[sflag:s24] =	ssyncadd.s32 $0xFFFFFFFF  }
0x1d: {  	s27 =	simm.s32 $execute0_lowered;
	[smem:$0x3FD2] =	sst s26  }
0x1e: {  	s5 =	sshll.u32 s27, $0x1;
	_ =	strace $0x80000049;
	[dreg:$0x1] =	wrdreg $0xFFFFFFFF  }
0x1f: {  	s28 =	simm.s32 $_size_execute0_lowered;
	s3 =	sadd.s32 s3, s5;
	[dreg:$0x0] =	wrdreg $0x0  }
0x20: {  	s5 =	sshll.u32 s28, $0x1;
	[dreg:$0x2] =	wrdreg s3  }
0x21: {  	[dreg:$0x3] =	wrdreg s5  }
0x22: {  	[dreg:$0x4] =	wrdreg $0xC0  }
0x23: {  	_ =	task [dreg:s7], $0x5FFFF  }
0x24: {  	[dreg:$0x1] =	wrdreg $0xFFFFFFFF  }
0x25: {  	[dreg:$0x0] =	wrdreg $0x60  }
0x26: {  	[dreg:$0x2] =	wrdreg s25  }
0x27: {  	[dreg:$0x3] =	wrdreg s2  }
0x28: {  	[dreg:$0x4] =	wrdreg $0x9  }
0x29: {  	_ =	task.clear_ibuf [dreg:s7], $0x5FFFF;
	_ =	strace $0x90000049  }
0x2a: {  	s29 =	simm.s32 $0x9;
	_ =	strace $0x8000004B  }
0x2b: {  	_ =	swait.ge [sflag:s29], $0x1  }
0x2c: {  	[sflag:s29] =	ssyncadd.s32 $0xFFFFFFFF  }
0x2d: {  	_ =	strace $0x9000004B  }
0x2e: {  	_ =	sfence  }
0x2f: {  	s30 =	sld [smem:$0x0];
	_ =	sdelay $0x2  }
0x30: {  	s31 =	sshll.u32 s1, $0xD;
	s1 =	sshrl.u32 s1, $0x2  }
0x31: {  	s3 =	sand.u32 $0x4000, s31;
	s1 =	sadd.s32 s1, s30  }
0x32: {  	s0 =	sor.u32 s3, s0;
	s1 =	sshll.u32 s1, $0x11  }
0x33: {  	s0 =	sor.u32 s1, s0  }
0x34: {  	s0 =	sadd.s32 $0x8F2B, s0  }
0x35: {  	[sflag:s0] =	ssyncadd.remote.s32 $0x1  }
0x36: {  	_ =	sfence.sel $0xFFFF  }
0x37: {  	[dreg:$0x0] =	wrdreg $0xFFFFFFFF;
	(pc) =	sbr.abs _section_cstart, $3  }
0x38: {  	[dreg:$0x1] =	wrdreg $0xFFFFFFFF  }
0x39: {  	_ =	task.clear_ibuf [dreg:s7], $0x2FFFF;
	_ =	strace $0x9FFFFFFF  }
0x3a: {  	(tm) =	ssettm $0x7FFFFFFF  }
0x3b: {  	_ =	shalt  }
tec
execute0_lowered:
.L_overlay_start_1:
0x0: {  	(tag) =	ssettag $0x1  }
0x1: {  	s0 =	srdreg.scid  }
0x2: {  	s1 =	sshll.u32 s0, $0x4  }
0x3: {  	s0 =	stileid.u32;
	s1 =	sand.u32 $0x10, s1  }
0x4: {  	s1 =	sor.u32 s0, s1  }
0x5: {  	s6 =	rddreg [dreg:$0x0];
	s4 =	simm.s32 $0x1;
	s2 =	sshll.u32 s1, $0x7  }
0x6: {  	s7 =	simm.s32 $0x2;
	s12 =	simm.s32 $0x0;
	s1 =	ssub.s32 $0x4000, s2  }
0x7: {  	s8 =	simm.s32 $0x20000;
	s13 =	simm.s32 $0x0;
	s3 =	sand.u32 $0xF80, s1  }
0x8: {  	s9 =	simm.s32 $0x0;
	s5 =	sshrl.u32 s1, $0xC;
	p0 =	sne.s32 s3, $0x0  }
.Ltmp0:
0x9: {  	s1 =	rddreg [dreg:$0x2];
	s4 =	simm.s32 @!p0 $0x0;
	(pc) =	sbr.rel .LBB1_1-.Ltmp0, $4  }
0xa: {  	s11 =	simm.s32 $0x0;
	s3 =	rddreg [dreg:$0x1];
	s5 =	sadd.s32 s4, s5  }
0xb: {  	_ =	strace $0x8000004A;
	s4 =	simm.s32 $0x1;
	s5 =	smul.u32 $0x14, s5  }
0xc: {  	s6 =	sadd.s32 $0x600C00, s6;
	s10 =	smov.u32 s2;
	[sflag:s4] =	ssyncpa.u1 $0x0  }
0xd: {  	p0 =	por $0x0, $0x0;
	[sflag:s7] =	ssyncpa.u1 $0x0;
	s7 =	sor.u32 $0x1, s5  }
.LBB1_4:
0xe: {  	s16 =	sshll.u32 s13, $0x3;
	s17 =	sand.u32 $0x78, s13  }
0xf: {  	s30 =	sand.u32 $0x1F800, s13;
	s12 =	sshll.u32 s12, $0x11;
	s16 =	sand.u32 $0x3C00, s16  }
0x10: {  	[tilespmem:s15+$0x810 ss:$0x81] =	vst.msk $0xffff, v2;
	s31 =	sand.u32 $0x7, s13;
	s16 =	sor.u32 s17, s16;
	s17 =	sadd.s32 s3, s30  }
0x11: {  	[tilespmem:s15+$0x1020 ss:$0x81] =	vst.msk $0xffff, v0;
	s13 =	sshll.u32 s31, $0x12;
	s12 =	sadd.s32 s12, s17;
	s16 =	sshrl.u32 s16, $0x3  }
0x12: {  	[tilespmem:s15+$0x0 ss:$0x81] =	vst.msk $0xffff, v1;
	s13 =	sor.u32 $0x400, s13;
	s12 =	sadd.s32 s16, s12  }
0x13: {  	[hbm4b:s12+s13] =	stream.strided.scatter [tilespmem:s14], [sflag:$0x2], $0x2000, s8, s13, $0x20;
	[tilespmem:$0x8080] =	vst v63  }
.LBB1_5:
0x14: {  	s14 =	sadd.s32 $0x1, s9  }
0x15: {  	s12 =	sadd.s32 $0x1000, s10;
	s16 =	smov.u32 s10;
	p2 =	sgt.s32 s14, $0x13  }
0x16: {  	s16 =	smov.u32 @p2 s12  }
0x17: {  	s14 =	simm.s32 @p2 $0x0;
	p2 =	sgt.s32 s16, $0x3FFF  }
0x18: {  	s16 =	smov.u32 @p2 s2;
	p2 =	sne.s32 s11, s7  }
.Ltmp1:
0x19: {  	p1 =	slt.u32 s11, $0x2;
	(pc) =	sbr.rel @!p2 .LBB1_6-.Ltmp1, $4  }
0x1a: {  	s15 =	simm.s32 @!p1 $0x2  }
0x1b: {  	s13 =	smov.u32 s10;
	p0 =	por !p0, !p0;
	_ =	swait.ge @!p1 [sflag:s15], $0x2000  }
0x1c: {  	s12 =	smov.u32 s9;
	[sflag:s15] =	ssyncset.done @!p1 $0x0;
	s9 =	smov.u32 s14  }
0x1d: {  	s11 =	sadd.s32 $0x1, s11;
	[sflag:s15] =	ssyncadd.s32 @!p1 $0xFFFFE000;
	s10 =	smov.u32 s16  }
.LBB1_1:
0x1e: {  	p1 =	sge.u32 s11, s5  }
0x1f: {  	s14 =	sand.u32 @!p1 $0x1FFFFFF, s9  }
0x20: {  	s15 =	smulhi.u32 @!p1 $0xAAAAAAB, s14;
	_ =	sdelay $0x1  }
0x21: {  	s15 =	smul.u32 @!p1 $0x18, s15  }
0x22: {  	s16 =	sxor.u32 @!p1 $0xFFFFFFFF, s11;
	s17 =	smul.u32 @!p1 $0x180, s10  }
0x23: {  	s31 =	sadd.s32 $0xFFFFFFFF, s11;
	s16 =	sshll.u32 @!p1 s16, $0xD;
	s14 =	ssub.s32 @!p1 s14, s15  }
0x24: {  	s15 =	sand.u32 @!p1 $0x2000, s16;
	s16 =	sadd.s32 @!p1 s6, s17;
	s14 =	sshll.u32 @!p1 s14, $0x4  }
0x25: {  	s17 =	simm.s32 @!p1 $0xC00;
	s14 =	sadd.s32 @!p1 s14, s16;
	s16 =	simm.s32 @!p1 $0x40  }
0x26: {  	[tilespmem:s15], [sflag:$0x1] =	stream.strided.gather @!p1 [hbm4b:s14+s16], $0x2000, s17, s16, $0x38;
	[tilespmem:$0x8080] =	vst v63  }
0x27: {  	p1 =	sge.u32 s31, s5  }
.Ltmp2:
0x28: {  	_ = 	snop;
	(pc) =	sbr.rel @p1 .LBB1_5-.Ltmp2, $1  }
0x29: {  	_ =	sdelay $0x3  }
0x2a: {  	s14 =	simm.s32 $0x1  }
0x2b: {  	_ =	swait.ge [sflag:s4], $0x2000;
	s14 =	simm.s32 @!p0 $0x0  }
0x2c: {  	[sflag:s4] =	ssyncset.done $0x0;
	s15 =	sshll.u32 s14, $0xD  }
0x2d: {  	[sflag:s4] =	ssyncadd.s32 $0xFFFFE000;
	s18 =	sor.u32 $0x20, s15  }
0x2e: {  	s14 =	smul.u32 $0x8100, s14;
	v3 =	vld [tilespmem:s18+$0x10]  }
0x2f: {  	s30 =	sand.u32 $0x1, s11;
	v2 =	vld [tilespmem:s18+$0xFFFFFFF0]  }
0x30: {  	s15 =	smul.u32 $0x8100, s30;
	s14 =	sshrl.u32 s14, $0x2;
	v0 =	vld [tilespmem:s18+$0x0]  }
0x31: {  	v1 =	vld [tilespmem:s18+$0xFFFFFFE0];
	s16 =	sor.u32 $0x4000, s14  }
0x32: {  	s31 =	sshrl.u32 s15, $0x2;
	s15 =	sadd.s32 $0x0, s16  }
0x33: {  	s17 =	simm.s32 $0x4;
	s18 =	sadd.s32 $0x40, s18;
	s14 =	sor.u32 $0x4000, s31;
	[tilespmem:s15+$0x1830 ss:$0x81] =	vst.msk $0xffff, v3  }
.LBB1_3:
0x34: {  	v3 =	vld [tilespmem:s18+$0x10];
	p1 =	sne.s32 s17, $0x1FC;
	[tilespmem:s15+$0x810 ss:$0x81] =	vst.msk $0xffff, v2;
	s19 =	smov.u32 s17;
	s17 =	sadd.s32 $0x4, s17  }
.Ltmp3:
0x35: {  	v2 =	vld [tilespmem:s18+$0xFFFFFFF0];
	[tilespmem:s15+$0x1020 ss:$0x81] =	vst.msk $0xffff, v0;
	(pc) =	sbr.rel @p1 .LBB1_3-.Ltmp3, $4  }
0x36: {  	v0 =	vld [tilespmem:s18+$0x0];
	[tilespmem:s15+$0x0 ss:$0x81] =	vst.msk $0xffff, v1  }
0x37: {  	s15 =	sshra.s32 s19, $0x2;
	v1 =	vld [tilespmem:s18+$0xFFFFFFE0]  }
0x38: {  	s15 =	sadd.s32 s15, s16  }
0x39: {  	s18 =	sadd.s32 $0x40, s18;
	[tilespmem:s15+$0x1830 ss:$0x81] =	vst.msk $0xffff, v3  }
.Ltmp4:
0x3a: {  	_ = 	snop;
	(pc) =	sbr.rel .LBB1_4-.Ltmp4, $1  }
0x3b: {  	_ =	sdelay $0x3  }
.LBB1_6:
0x3c: {  	_ =	sfence.sel $0x180000  }
0x3d: {  	s2 =	simm.s32 $0x1;
	[bflag:$0x0] =	sbarrier.arrive $0xFFFF  }
0x3e: {  	s31 =	simm.s32 $0x2;
	[sflag:s2] =	ssyncpa.u1 $0x1  }
0x3f: {  	[sflag:s31] =	ssyncpa.u1 $0x1  }
0x40: {  	p0 =	sne.s32 s0, $0x0;
	_ =	strace $0x9000004A  }
0x41: {  	s0 =	sadd.s32 @!p0 $0x100000, s1;
	[bflag:$0x2] =	sbarrier.arrive $0xFFFF  }
0x42: {  	[sflag:s0] =	ssyncadd.tile.s32 @!p0 $0x1;
	_ =	shalt  }
.Lfunc_end1:
_tile_overlayer_lowered:
.L_overlay_start_2:
0x43: {  	(tag) =	ssettag $0x2  }
0x44: {  	s0 =	rddreg [dreg:$0x0];
	s2 =	stileid.u32  }
0x45: {  	s1 =	rddreg [dreg:$0x1];
	p0 =	sne.s32 s2, $0x0  }
0x46: {  	s3 =	rddreg [dreg:$0x2];
	[bflag:$0x3] =	sbarrier.arrive $0xFFFF;
	s2 =	simm.s32 @!p0 $0x1C01  }
0x47: {  	[timem:s3], [sflag:s2] =	dma.local @!p0 [hbm:s0], s1  }
0x48: {  	s0 =	simm.s32 @!p0 $0x1  }
0x49: {  	_ =	swait.ge @!p0 [sflag:s0], s1  }
0x4a: {  	s1 =	ssub.s32 @!p0 $0x0, s1;
	[sflag:s0] =	ssyncset.done @!p0 $0x0  }
0x4b: {  	[sflag:s0] =	ssyncadd.s32 @!p0 s1  }
0x4c: {  	[bflag:$0x3] =	sbarrier.arrive $0xFFFF  }
0x4d: {  	_ =	shalt  }

</sc_bundles>
